<compile_context>
chip_gen: v7x
topology: tpu7x:2x2x1
jax: 0.10.2.dev20260603
libtpu: 0.0.44.dev20260713+nightly
codegen_flags: <defaults>
</compile_context>

<pallas_src>
import functools

import jax
import jax.numpy as jnp
from jax import lax
from jax.experimental import pallas as pl
from jax.experimental.pallas import tpu as pltpu
from jax.experimental.pallas import tpu_sc as plsc

N = 100000
ATOM_ID_DIM = 32
CHARGE_DIM = 8
MOTIF_FEAT_SIZE = 48
MOTIF_DIM = 32
NUM_JOINS = 3
OUT_DIM = 232
NSLOT = 8
GDIM = NSLOT * 16

CREP = 2048
MREP = 256
SHAPE_OFS = 3 * CREP
MULT_OFS = SHAPE_OFS + 5001


CHUNK = 800
NUM_CHUNKS = N // CHUNK
CHALF = CHUNK // 2


def _sc_gather(aidx, idx8, atab, smtab):
    info = plsc.get_sparse_core_info()
    nc, ns = info.num_cores, info.num_subcores
    nw = nc * ns
    chunks_per_w = -(-NUM_CHUNKS // nw)
    mesh = plsc.VectorSubcoreMesh(core_axis_name="c", subcore_axis_name="s")

    @functools.partial(
        pl.kernel,
        mesh=mesh,
        out_type=(
            jax.ShapeDtypeStruct((N, ATOM_ID_DIM), jnp.float32),
            jax.ShapeDtypeStruct((NSLOT * N, 16), jnp.float32),
        ),
        scratch_types=[
            pltpu.VMEM((CHUNK,), jnp.int32),
            pltpu.VMEM((NSLOT * CHALF,), jnp.int32),
            pltpu.VMEM((CHUNK, ATOM_ID_DIM), jnp.float32),
            pltpu.VMEM((NSLOT * CHALF, 16), jnp.float32),
            pltpu.SemaphoreType.DMA,
        ],
        compiler_params=pltpu.CompilerParams(use_tc_tiling_on_sc=False),
    )
    def k(aidx_hbm, idx8_hbm, atab_hbm, smtab_hbm, ga_out, gsm_out,
          aidx_v, idx_v, arows_v, grows_v, sem):
        wid = lax.axis_index("s") * nc + lax.axis_index("c")
        for c in range(chunks_per_w):
            cid = wid + nw * c

            @pl.when(cid < NUM_CHUNKS)
            def _():
                base = cid * CHUNK
                rows = pl.ds(base, CHUNK)
                gr0 = pl.ds(base * NSLOT, NSLOT * CHALF)
                gr1 = pl.ds((base + CHALF) * NSLOT, NSLOT * CHALF)
                pltpu.sync_copy(aidx_hbm.at[rows], aidx_v)
                pltpu.sync_copy(idx8_hbm.at[gr0], idx_v)
                cp_a = pltpu.async_copy(atab_hbm.at[aidx_v], arows_v, sem)
                cp_g = pltpu.async_copy(smtab_hbm.at[idx_v], grows_v, sem)
                cp_a.wait()
                cp_g.wait()
                pltpu.sync_copy(arows_v, ga_out.at[rows])
                pltpu.sync_copy(grows_v, gsm_out.at[gr0])
                pltpu.sync_copy(idx8_hbm.at[gr1], idx_v)
                pltpu.async_copy(smtab_hbm.at[idx_v], grows_v, sem).wait()
                pltpu.sync_copy(grows_v, gsm_out.at[gr1])

    return k(aidx, idx8, atab, smtab)



BR = 1000


def _tc_body(ga_ref, gsm_ref, mf_ref, pa_ref, psm_ref, pw_ref, b_ref, out_ref):
    acc = jnp.dot(ga_ref[...], pa_ref[...], preferred_element_type=jnp.float32)
    acc += jnp.dot(gsm_ref[...], psm_ref[...], preferred_element_type=jnp.float32)
    acc += jnp.dot(mf_ref[...], pw_ref[...], preferred_element_type=jnp.float32)
    out_ref[...] = acc + b_ref[...]


def _tc_assemble(ga, gsm, mf, pa, psm, pw, b232):
    return pl.pallas_call(
        _tc_body,
        grid=(N // BR,),
        in_specs=[
            pl.BlockSpec((BR, ATOM_ID_DIM), lambda i: (i, 0)),
            pl.BlockSpec((BR, GDIM), lambda i: (i, 0)),
            pl.BlockSpec((BR, NUM_JOINS * MOTIF_FEAT_SIZE), lambda i: (i, 0)),
            pl.BlockSpec((ATOM_ID_DIM, OUT_DIM), lambda i: (0, 0)),
            pl.BlockSpec((GDIM, OUT_DIM), lambda i: (0, 0)),
            pl.BlockSpec((NUM_JOINS * MOTIF_FEAT_SIZE, OUT_DIM), lambda i: (0, 0)),
            pl.BlockSpec((1, OUT_DIM), lambda i: (0, 0)),
        ],
        out_specs=pl.BlockSpec((BR, OUT_DIM), lambda i: (i, 0)),
        out_shape=jax.ShapeDtypeStruct((N, OUT_DIM), jnp.float32),
        compiler_params=pltpu.CompilerParams(
            dimension_semantics=("arbitrary",),
        ),
    )(ga, gsm, mf, pa, psm, pw, b232)


def kernel(atom_idx, atom_charges, motif_features, shape_classes, mult_per_atom,
           atom_id_table, atom_charge_table, shape_id_table, atom_mult_table,
           W_motif, b_motif):
    f32 = jnp.float32
    i32 = jnp.int32
    ctab16 = jnp.zeros((3, 16), f32).at[:, :CHARGE_DIM].set(atom_charge_table)
    smtab = jnp.concatenate([
        jnp.tile(ctab16, (CREP, 1)),
        shape_id_table,
        jnp.tile(atom_mult_table, (MREP, 1)),
    ], axis=0)

    rid = jnp.arange(N, dtype=i32)
    c1 = atom_charges.astype(i32) + 1 + 3 * (rid & (CREP - 1))
    midx = (mult_per_atom.astype(i32) + (1 + MULT_OFS)
            + 32 * (rid & (MREP - 1))[:, None])
    idx8 = jnp.concatenate([
        c1[:, None], c1[:, None],
        shape_classes.astype(i32) + (1 + SHAPE_OFS),
        midx,
    ], axis=1).reshape(-1)

    ga, gsm8 = _sc_gather(atom_idx.astype(i32), idx8, atom_id_table, smtab)
    gsm = gsm8.reshape(N, GDIM)

    pa = jnp.zeros((ATOM_ID_DIM, OUT_DIM), f32)
    pa = pa.at[0:32, 0:32].set(jnp.eye(32, dtype=f32))

    psm = jnp.zeros((GDIM, OUT_DIM), f32)
    psm = psm.at[0:CHARGE_DIM, 32:40].set(jnp.eye(CHARGE_DIM, dtype=f32))
    eye48 = jnp.eye(48, dtype=f32)
    psm = psm.at[32:80, 136:184].set(eye48)
    psm = psm.at[80:128, 184:232].set(eye48)

    pw = jnp.zeros((NUM_JOINS * MOTIF_FEAT_SIZE, OUT_DIM), f32)
    for j in range(NUM_JOINS):
        pw = pw.at[j * MOTIF_FEAT_SIZE:(j + 1) * MOTIF_FEAT_SIZE,
                   40 + j * MOTIF_DIM:40 + (j + 1) * MOTIF_DIM].set(W_motif)

    b232 = jnp.zeros((1, OUT_DIM), f32)
    b232 = b232.at[0, 40:136].set(jnp.tile(b_motif, NUM_JOINS))

    return _tc_assemble(ga, gsm, motif_features, pa, psm, pw, b232)

# --- scband reference (transcript-rebuilt; emitter-appended) ---
"""Pipeline reference for scband-atom-featurizer-30657476559181 (READ-ONLY COPY).

The authoritative reference and input builder live on the scoring server;
editing this copy changes nothing except your own understanding.
"""

import jax, jax.numpy as jnp
import numpy as np

N = 100000
NUM_ATOMS = 100000
NUM_SHAPES = 5000
MOTIF_FEAT_SIZE = 48
ATOM_ID_DIM = 32
CHARGE_DIM = 8
SHAPE_ID_DIM = 16
MULT_DIM = 16
MOTIF_DIM = 32
MAX_SHAPE_SIZE = 32
NUM_JOINS = 3


def setup_inputs(seed: int = 0) -> dict:
    key = jax.random.key(seed)
    ks = jax.random.split(key, 12)
    return {
        "atom_idx": jax.random.randint(ks[0], (N,), 0, NUM_ATOMS),
        "atom_charges": jax.random.randint(ks[1], (N,), 0, 2),
        "motif_features": jax.random.normal(ks[2], (N, NUM_JOINS * MOTIF_FEAT_SIZE), dtype=jnp.float32),
        "shape_classes": jax.random.randint(ks[3], (N, NUM_JOINS), 0, NUM_SHAPES),
        "mult_per_atom": jax.random.randint(ks[4], (N, NUM_JOINS), 0, MAX_SHAPE_SIZE - 1),
        "atom_id_table": jax.random.normal(ks[5], (NUM_ATOMS, ATOM_ID_DIM), dtype=jnp.float32) * 0.02,
        "atom_charge_table": jax.random.normal(ks[6], (3, CHARGE_DIM), dtype=jnp.float32) * 0.02,
        "shape_id_table": jax.random.normal(ks[7], (NUM_SHAPES + 1, SHAPE_ID_DIM), dtype=jnp.float32) * 0.02,
        "atom_mult_table": jax.random.normal(ks[8], (MAX_SHAPE_SIZE, MULT_DIM), dtype=jnp.float32) * 0.02,
        "W_motif": jax.random.normal(ks[9], (MOTIF_FEAT_SIZE, MOTIF_DIM), dtype=jnp.float32) * 0.05,
        "b_motif": jnp.zeros((MOTIF_DIM,), dtype=jnp.float32),
    }


def reference(atom_idx, atom_charges, motif_features, shape_classes, mult_per_atom,
              atom_id_table, atom_charge_table, shape_id_table, atom_mult_table,
              W_motif, b_motif):
    num_joins = 3
    # embedding lookups (SparseCore gathers)
    atom_id_embs = jnp.take(atom_id_table, atom_idx, axis=0)
    atom_charge_embs = jnp.take(atom_charge_table, atom_charges + 1, axis=0)
    # motif feature MLP: Linear(motif_feat_size -> motif_feat_dim), plain_last (no activation)
    mf = motif_features.reshape(-1, motif_features.shape[1] // num_joins)
    motif_feat_embs = mf @ W_motif + b_motif
    motif_feat_embs = motif_feat_embs.reshape(motif_features.shape[0], -1)
    shape_embs = [jnp.take(shape_id_table, shape_classes[:, j] + 1, axis=0) for j in range(num_joins)]
    mult_embs = [jnp.take(atom_mult_table, mult_per_atom[:, j] + 1, axis=0) for j in range(num_joins)]
    node_feats = jnp.concatenate([atom_id_embs, atom_charge_embs, motif_feat_embs] + shape_embs + mult_embs, axis=-1)
    return node_feats

if __name__ == "__main__":
    import jax
    _d = setup_inputs()
    print(jax.jit(kernel)(*tuple(_d.values())))

</pallas_src>

<mosaic_0001>
#map = affine_map<(d0, d1) -> (0)>
#map1 = affine_map<(d0, d1) -> (0, 0)>
module attributes {stable_mosaic.version = 14 : i64} {
  func.func @k(%arg0: i32, %arg1: i32, %arg2: memref<100000xi32, #tpu.memory_space<hbm>>, %arg3: memref<800000xi32, #tpu.memory_space<hbm>>, %arg4: memref<100000x32xf32, #tpu.memory_space<hbm>>, %arg5: memref<19337x16xf32, #tpu.memory_space<hbm>>, %arg6: memref<100000x32xf32, #tpu.memory_space<hbm>>, %arg7: memref<800000x16xf32, #tpu.memory_space<hbm>>, %arg8: memref<800xi32, #tpu.memory_space<vmem>>, %arg9: memref<3200xi32, #tpu.memory_space<vmem>>, %arg10: memref<800x32xf32, #tpu.memory_space<vmem>>, %arg11: memref<3200x16xf32, #tpu.memory_space<vmem>>, %arg12: memref<!tpu.dma_semaphore, #tpu.memory_space<semaphore_mem>>) attributes {dimension_semantics = [#tpu.dimension_semantics<core_parallel>, #tpu.dimension_semantics<subcore_parallel>], iteration_bounds = array<i64: 2, 16>, scalar_prefetch = 0 : i64, scratch_operands = 5 : i64, tpu.core_type = #tpu.core_type<sc_vector_subcore>, window_params = [{transform_indices = #map}, {transform_indices = #map}, {transform_indices = #map1}, {transform_indices = #map1}, {transform_indices = #map1}, {transform_indices = #map1}]} {
    %mul3A = arith.constant 2 : i32
    %mul3A_0 = arith.muli %arg1, %mul3A : i32
    %add3A = arith.addi %mul3A_0, %arg0 : i32
    %add3A_1 = arith.constant 0 : i32
    %add3A_2 = arith.addi %add3A, %add3A_1 : i32
    %lt3A = arith.constant 125 : i32
    %lt3A_3 = arith.cmpi slt, %add3A_2, %lt3A : i32
    %convert_element_type3A = arith.extui %lt3A_3 : i1 to i32
    %cond3A = arith.constant 0 : i32
    %cond3A_4 = arith.cmpi ne, %convert_element_type3A, %cond3A : i32
    scf.if %cond3A_4 {
      %mul3A_26 = arith.constant 800 : i32
      %mul3A_27 = arith.muli %add3A_2, %mul3A_26 : i32
      %mul3A_28 = arith.constant 8 : i32
      %mul3A_29 = arith.muli %mul3A_27, %mul3A_28 : i32
      %add3A_30 = arith.constant 400 : i32
      %add3A_31 = arith.addi %mul3A_27, %add3A_30 : i32
      %mul3A_32 = arith.constant 8 : i32
      %mul3A_33 = arith.muli %add3A_31, %mul3A_32 : i32
      "tpu.region"() ({
        %run_scoped3A = tpu.sem_alloc : memref<!tpu.dma_semaphore, #tpu.memory_space<semaphore_mem>>
        %dma_start3A_50 = tpu.memref_slice %arg2[%mul3A_27] : memref<100000xi32, #tpu.memory_space<hbm>> -> memref<800xi32, #tpu.memory_space<hbm>>
        %dma_start3A_51 = tpu.memref_slice %arg2[%mul3A_27] : memref<100000xi32, #tpu.memory_space<hbm>> -> memref<800xi32, #tpu.memory_space<hbm>>
        tpu.enqueue_dma source(%dma_start3A_51 : memref<800xi32, #tpu.memory_space<hbm>>) target(%arg8 : memref<800xi32, #tpu.memory_space<vmem>>) target_semaphore(%run_scoped3A : memref<!tpu.dma_semaphore, #tpu.memory_space<semaphore_mem>>)
        %dma_wait3A_52 = tpu.memref_slice %arg2[%mul3A_27] : memref<100000xi32, #tpu.memory_space<hbm>> -> memref<800xi32, #tpu.memory_space<hbm>>
        %dma_wait3A_53 = tpu.memref_slice %arg2[%mul3A_27] : memref<100000xi32, #tpu.memory_space<hbm>> -> memref<800xi32, #tpu.memory_space<hbm>>
        tpu.wait_dma2 semaphore(%run_scoped3A : memref<!tpu.dma_semaphore, #tpu.memory_space<semaphore_mem>>) src(%dma_wait3A_53 : memref<800xi32, #tpu.memory_space<hbm>>) dst(%arg8 : memref<800xi32, #tpu.memory_space<vmem>>)
        tpu.yield
      }) : () -> ()
      "tpu.region"() ({
        %run_scoped3A = tpu.sem_alloc : memref<!tpu.dma_semaphore, #tpu.memory_space<semaphore_mem>>
        %dma_start3A_50 = tpu.memref_slice %arg3[%mul3A_29] : memref<800000xi32, #tpu.memory_space<hbm>> -> memref<3200xi32, #tpu.memory_space<hbm>>
        %dma_start3A_51 = tpu.memref_slice %arg3[%mul3A_29] : memref<800000xi32, #tpu.memory_space<hbm>> -> memref<3200xi32, #tpu.memory_space<hbm>>
        tpu.enqueue_dma source(%dma_start3A_51 : memref<3200xi32, #tpu.memory_space<hbm>>) target(%arg9 : memref<3200xi32, #tpu.memory_space<vmem>>) target_semaphore(%run_scoped3A : memref<!tpu.dma_semaphore, #tpu.memory_space<semaphore_mem>>)
        %dma_wait3A_52 = tpu.memref_slice %arg3[%mul3A_29] : memref<800000xi32, #tpu.memory_space<hbm>> -> memref<3200xi32, #tpu.memory_space<hbm>>
        %dma_wait3A_53 = tpu.memref_slice %arg3[%mul3A_29] : memref<800000xi32, #tpu.memory_space<hbm>> -> memref<3200xi32, #tpu.memory_space<hbm>>
        tpu.wait_dma2 semaphore(%run_scoped3A : memref<!tpu.dma_semaphore, #tpu.memory_space<semaphore_mem>>) src(%dma_wait3A_53 : memref<3200xi32, #tpu.memory_space<hbm>>) dst(%arg9 : memref<3200xi32, #tpu.memory_space<vmem>>)
        tpu.yield
      }) : () -> ()
      %dma_start3A = arith.constant 0 : i32
      %dma_start3A_34 = arith.constant 0 : i32
      %dma_start3A_35 = tpu.memref_slice %arg4[%dma_start3A, %dma_start3A_34] : memref<100000x32xf32, #tpu.memory_space<hbm>> -> memref<100000x32xf32, #tpu.memory_space<hbm>>
      tpu.enqueue_indirect_dma source(%dma_start3A_35 : memref<100000x32xf32, #tpu.memory_space<hbm>>) target(%arg10 : memref<800x32xf32, #tpu.memory_space<vmem>>) offsets(%arg8 : memref<800xi32, #tpu.memory_space<vmem>>) semaphore(%arg12 : memref<!tpu.dma_semaphore, #tpu.memory_space<semaphore_mem>>)
      %dma_start3A_36 = arith.constant 0 : i32
      %dma_start3A_37 = arith.constant 0 : i32
      %dma_start3A_38 = tpu.memref_slice %arg5[%dma_start3A_36, %dma_start3A_37] : memref<19337x16xf32, #tpu.memory_space<hbm>> -> memref<19337x16xf32, #tpu.memory_space<hbm>>
      tpu.enqueue_indirect_dma source(%dma_start3A_38 : memref<19337x16xf32, #tpu.memory_space<hbm>>) target(%arg11 : memref<3200x16xf32, #tpu.memory_space<vmem>>) offsets(%arg9 : memref<3200xi32, #tpu.memory_space<vmem>>) semaphore(%arg12 : memref<!tpu.dma_semaphore, #tpu.memory_space<semaphore_mem>>)
      %dma_wait3A = arith.constant 0 : i32
      %dma_wait3A_39 = arith.constant 0 : i32
      %dma_wait3A_40 = tpu.memref_slice %arg4[%dma_wait3A, %dma_wait3A_39] : memref<100000x32xf32, #tpu.memory_space<hbm>> -> memref<100000x32xf32, #tpu.memory_space<hbm>>
      tpu.wait_indirect_dma semaphore(%arg12 : memref<!tpu.dma_semaphore, #tpu.memory_space<semaphore_mem>>) src(%dma_wait3A_40 : memref<100000x32xf32, #tpu.memory_space<hbm>>) dst(%arg10 : memref<800x32xf32, #tpu.memory_space<vmem>>)
      %dma_wait3A_41 = arith.constant 0 : i32
      %dma_wait3A_42 = arith.constant 0 : i32
      %dma_wait3A_43 = tpu.memref_slice %arg5[%dma_wait3A_41, %dma_wait3A_42] : memref<19337x16xf32, #tpu.memory_space<hbm>> -> memref<19337x16xf32, #tpu.memory_space<hbm>>
      tpu.wait_indirect_dma semaphore(%arg12 : memref<!tpu.dma_semaphore, #tpu.memory_space<semaphore_mem>>) src(%dma_wait3A_43 : memref<19337x16xf32, #tpu.memory_space<hbm>>) dst(%arg11 : memref<3200x16xf32, #tpu.memory_space<vmem>>)
      "tpu.region"() ({
        %run_scoped3A = tpu.sem_alloc : memref<!tpu.dma_semaphore, #tpu.memory_space<semaphore_mem>>
        %dma_start3A_50 = arith.constant 0 : i32
        %dma_start3A_51 = tpu.memref_slice %arg6[%mul3A_27, %dma_start3A_50] : memref<100000x32xf32, #tpu.memory_space<hbm>> -> memref<800x32xf32, #tpu.memory_space<hbm>>
        %dma_start3A_52 = arith.constant 0 : i32
        %dma_start3A_53 = tpu.memref_slice %arg6[%mul3A_27, %dma_start3A_52] : memref<100000x32xf32, #tpu.memory_space<hbm>> -> memref<800x32xf32, #tpu.memory_space<hbm>>
        tpu.enqueue_dma source(%arg10 : memref<800x32xf32, #tpu.memory_space<vmem>>) target(%dma_start3A_53 : memref<800x32xf32, #tpu.memory_space<hbm>>) target_semaphore(%run_scoped3A : memref<!tpu.dma_semaphore, #tpu.memory_space<semaphore_mem>>)
        %dma_wait3A_54 = arith.constant 0 : i32
        %dma_wait3A_55 = tpu.memref_slice %arg6[%mul3A_27, %dma_wait3A_54] : memref<100000x32xf32, #tpu.memory_space<hbm>> -> memref<800x32xf32, #tpu.memory_space<hbm>>
        %dma_wait3A_56 = arith.constant 0 : i32
        %dma_wait3A_57 = tpu.memref_slice %arg6[%mul3A_27, %dma_wait3A_56] : memref<100000x32xf32, #tpu.memory_space<hbm>> -> memref<800x32xf32, #tpu.memory_space<hbm>>
        tpu.wait_dma2 semaphore(%run_scoped3A : memref<!tpu.dma_semaphore, #tpu.memory_space<semaphore_mem>>) src(%arg10 : memref<800x32xf32, #tpu.memory_space<vmem>>) dst(%dma_wait3A_57 : memref<800x32xf32, #tpu.memory_space<hbm>>)
        tpu.yield
      }) : () -> ()
      "tpu.region"() ({
        %run_scoped3A = tpu.sem_alloc : memref<!tpu.dma_semaphore, #tpu.memory_space<semaphore_mem>>
        %dma_start3A_50 = arith.constant 0 : i32
        %dma_start3A_51 = tpu.memref_slice %arg7[%mul3A_29, %dma_start3A_50] : memref<800000x16xf32, #tpu.memory_space<hbm>> -> memref<3200x16xf32, #tpu.memory_space<hbm>>
        %dma_start3A_52 = arith.constant 0 : i32
        %dma_start3A_53 = tpu.memref_slice %arg7[%mul3A_29, %dma_start3A_52] : memref<800000x16xf32, #tpu.memory_space<hbm>> -> memref<3200x16xf32, #tpu.memory_space<hbm>>
        tpu.enqueue_dma source(%arg11 : memref<3200x16xf32, #tpu.memory_space<vmem>>) target(%dma_start3A_53 : memref<3200x16xf32, #tpu.memory_space<hbm>>) target_semaphore(%run_scoped3A : memref<!tpu.dma_semaphore, #tpu.memory_space<semaphore_mem>>)
        %dma_wait3A_54 = arith.constant 0 : i32
        %dma_wait3A_55 = tpu.memref_slice %arg7[%mul3A_29, %dma_wait3A_54] : memref<800000x16xf32, #tpu.memory_space<hbm>> -> memref<3200x16xf32, #tpu.memory_space<hbm>>
        %dma_wait3A_56 = arith.constant 0 : i32
        %dma_wait3A_57 = tpu.memref_slice %arg7[%mul3A_29, %dma_wait3A_56] : memref<800000x16xf32, #tpu.memory_space<hbm>> -> memref<3200x16xf32, #tpu.memory_space<hbm>>
        tpu.wait_dma2 semaphore(%run_scoped3A : memref<!tpu.dma_semaphore, #tpu.memory_space<semaphore_mem>>) src(%arg11 : memref<3200x16xf32, #tpu.memory_space<vmem>>) dst(%dma_wait3A_57 : memref<3200x16xf32, #tpu.memory_space<hbm>>)
        tpu.yield
      }) : () -> ()
      "tpu.region"() ({
        %run_scoped3A = tpu.sem_alloc : memref<!tpu.dma_semaphore, #tpu.memory_space<semaphore_mem>>
        %dma_start3A_50 = tpu.memref_slice %arg3[%mul3A_33] : memref<800000xi32, #tpu.memory_space<hbm>> -> memref<3200xi32, #tpu.memory_space<hbm>>
        %dma_start3A_51 = tpu.memref_slice %arg3[%mul3A_33] : memref<800000xi32, #tpu.memory_space<hbm>> -> memref<3200xi32, #tpu.memory_space<hbm>>
        tpu.enqueue_dma source(%dma_start3A_51 : memref<3200xi32, #tpu.memory_space<hbm>>) target(%arg9 : memref<3200xi32, #tpu.memory_space<vmem>>) target_semaphore(%run_scoped3A : memref<!tpu.dma_semaphore, #tpu.memory_space<semaphore_mem>>)
        %dma_wait3A_52 = tpu.memref_slice %arg3[%mul3A_33] : memref<800000xi32, #tpu.memory_space<hbm>> -> memref<3200xi32, #tpu.memory_space<hbm>>
        %dma_wait3A_53 = tpu.memref_slice %arg3[%mul3A_33] : memref<800000xi32, #tpu.memory_space<hbm>> -> memref<3200xi32, #tpu.memory_space<hbm>>
        tpu.wait_dma2 semaphore(%run_scoped3A : memref<!tpu.dma_semaphore, #tpu.memory_space<semaphore_mem>>) src(%dma_wait3A_53 : memref<3200xi32, #tpu.memory_space<hbm>>) dst(%arg9 : memref<3200xi32, #tpu.memory_space<vmem>>)
        tpu.yield
      }) : () -> ()
      %dma_start3A_44 = arith.constant 0 : i32
      %dma_start3A_45 = arith.constant 0 : i32
      %dma_start3A_46 = tpu.memref_slice %arg5[%dma_start3A_44, %dma_start3A_45] : memref<19337x16xf32, #tpu.memory_space<hbm>> -> memref<19337x16xf32, #tpu.memory_space<hbm>>
      tpu.enqueue_indirect_dma source(%dma_start3A_46 : memref<19337x16xf32, #tpu.memory_space<hbm>>) target(%arg11 : memref<3200x16xf32, #tpu.memory_space<vmem>>) offsets(%arg9 : memref<3200xi32, #tpu.memory_space<vmem>>) semaphore(%arg12 : memref<!tpu.dma_semaphore, #tpu.memory_space<semaphore_mem>>)
      %dma_wait3A_47 = arith.constant 0 : i32
      %dma_wait3A_48 = arith.constant 0 : i32
      %dma_wait3A_49 = tpu.memref_slice %arg5[%dma_wait3A_47, %dma_wait3A_48] : memref<19337x16xf32, #tpu.memory_space<hbm>> -> memref<19337x16xf32, #tpu.memory_space<hbm>>
      tpu.wait_indirect_dma semaphore(%arg12 : memref<!tpu.dma_semaphore, #tpu.memory_space<semaphore_mem>>) src(%dma_wait3A_49 : memref<19337x16xf32, #tpu.memory_space<hbm>>) dst(%arg11 : memref<3200x16xf32, #tpu.memory_space<vmem>>)
      "tpu.region"() ({
        %run_scoped3A = tpu.sem_alloc : memref<!tpu.dma_semaphore, #tpu.memory_space<semaphore_mem>>
        %dma_start3A_50 = arith.constant 0 : i32
        %dma_start3A_51 = tpu.memref_slice %arg7[%mul3A_33, %dma_start3A_50] : memref<800000x16xf32, #tpu.memory_space<hbm>> -> memref<3200x16xf32, #tpu.memory_space<hbm>>
        %dma_start3A_52 = arith.constant 0 : i32
        %dma_start3A_53 = tpu.memref_slice %arg7[%mul3A_33, %dma_start3A_52] : memref<800000x16xf32, #tpu.memory_space<hbm>> -> memref<3200x16xf32, #tpu.memory_space<hbm>>
        tpu.enqueue_dma source(%arg11 : memref<3200x16xf32, #tpu.memory_space<vmem>>) target(%dma_start3A_53 : memref<3200x16xf32, #tpu.memory_space<hbm>>) target_semaphore(%run_scoped3A : memref<!tpu.dma_semaphore, #tpu.memory_space<semaphore_mem>>)
        %dma_wait3A_54 = arith.constant 0 : i32
        %dma_wait3A_55 = tpu.memref_slice %arg7[%mul3A_33, %dma_wait3A_54] : memref<800000x16xf32, #tpu.memory_space<hbm>> -> memref<3200x16xf32, #tpu.memory_space<hbm>>
        %dma_wait3A_56 = arith.constant 0 : i32
        %dma_wait3A_57 = tpu.memref_slice %arg7[%mul3A_33, %dma_wait3A_56] : memref<800000x16xf32, #tpu.memory_space<hbm>> -> memref<3200x16xf32, #tpu.memory_space<hbm>>
        tpu.wait_dma2 semaphore(%run_scoped3A : memref<!tpu.dma_semaphore, #tpu.memory_space<semaphore_mem>>) src(%arg11 : memref<3200x16xf32, #tpu.memory_space<vmem>>) dst(%dma_wait3A_57 : memref<3200x16xf32, #tpu.memory_space<hbm>>)
        tpu.yield
      }) : () -> ()
    } else {
    }
    %add3A_5 = arith.constant 32 : i32
    %add3A_6 = arith.addi %add3A, %add3A_5 : i32
    %lt3A_7 = arith.constant 125 : i32
    %lt3A_8 = arith.cmpi slt, %add3A_6, %lt3A_7 : i32
    %convert_element_type3A_9 = arith.extui %lt3A_8 : i1 to i32
    %cond3A_10 = arith.constant 0 : i32
    %cond3A_11 = arith.cmpi ne, %convert_element_type3A_9, %cond3A_10 : i32
    scf.if %cond3A_11 {
      %mul3A_26 = arith.constant 800 : i32
      %mul3A_27 = arith.muli %add3A_6, %mul3A_26 : i32
      %mul3A_28 = arith.constant 8 : i32
      %mul3A_29 = arith.muli %mul3A_27, %mul3A_28 : i32
      %add3A_30 = arith.constant 400 : i32
      %add3A_31 = arith.addi %mul3A_27, %add3A_30 : i32
      %mul3A_32 = arith.constant 8 : i32
      %mul3A_33 = arith.muli %add3A_31, %mul3A_32 : i32
      "tpu.region"() ({
        %run_scoped3A = tpu.sem_alloc : memref<!tpu.dma_semaphore, #tpu.memory_space<semaphore_mem>>
        %dma_start3A_50 = tpu.memref_slice %arg2[%mul3A_27] : memref<100000xi32, #tpu.memory_space<hbm>> -> memref<800xi32, #tpu.memory_space<hbm>>
        %dma_start3A_51 = tpu.memref_slice %arg2[%mul3A_27] : memref<100000xi32, #tpu.memory_space<hbm>> -> memref<800xi32, #tpu.memory_space<hbm>>
        tpu.enqueue_dma source(%dma_start3A_51 : memref<800xi32, #tpu.memory_space<hbm>>) target(%arg8 : memref<800xi32, #tpu.memory_space<vmem>>) target_semaphore(%run_scoped3A : memref<!tpu.dma_semaphore, #tpu.memory_space<semaphore_mem>>)
        %dma_wait3A_52 = tpu.memref_slice %arg2[%mul3A_27] : memref<100000xi32, #tpu.memory_space<hbm>> -> memref<800xi32, #tpu.memory_space<hbm>>
        %dma_wait3A_53 = tpu.memref_slice %arg2[%mul3A_27] : memref<100000xi32, #tpu.memory_space<hbm>> -> memref<800xi32, #tpu.memory_space<hbm>>
        tpu.wait_dma2 semaphore(%run_scoped3A : memref<!tpu.dma_semaphore, #tpu.memory_space<semaphore_mem>>) src(%dma_wait3A_53 : memref<800xi32, #tpu.memory_space<hbm>>) dst(%arg8 : memref<800xi32, #tpu.memory_space<vmem>>)
        tpu.yield
      }) : () -> ()
      "tpu.region"() ({
        %run_scoped3A = tpu.sem_alloc : memref<!tpu.dma_semaphore, #tpu.memory_space<semaphore_mem>>
        %dma_start3A_50 = tpu.memref_slice %arg3[%mul3A_29] : memref<800000xi32, #tpu.memory_space<hbm>> -> memref<3200xi32, #tpu.memory_space<hbm>>
        %dma_start3A_51 = tpu.memref_slice %arg3[%mul3A_29] : memref<800000xi32, #tpu.memory_space<hbm>> -> memref<3200xi32, #tpu.memory_space<hbm>>
        tpu.enqueue_dma source(%dma_start3A_51 : memref<3200xi32, #tpu.memory_space<hbm>>) target(%arg9 : memref<3200xi32, #tpu.memory_space<vmem>>) target_semaphore(%run_scoped3A : memref<!tpu.dma_semaphore, #tpu.memory_space<semaphore_mem>>)
        %dma_wait3A_52 = tpu.memref_slice %arg3[%mul3A_29] : memref<800000xi32, #tpu.memory_space<hbm>> -> memref<3200xi32, #tpu.memory_space<hbm>>
        %dma_wait3A_53 = tpu.memref_slice %arg3[%mul3A_29] : memref<800000xi32, #tpu.memory_space<hbm>> -> memref<3200xi32, #tpu.memory_space<hbm>>
        tpu.wait_dma2 semaphore(%run_scoped3A : memref<!tpu.dma_semaphore, #tpu.memory_space<semaphore_mem>>) src(%dma_wait3A_53 : memref<3200xi32, #tpu.memory_space<hbm>>) dst(%arg9 : memref<3200xi32, #tpu.memory_space<vmem>>)
        tpu.yield
      }) : () -> ()
      %dma_start3A = arith.constant 0 : i32
      %dma_start3A_34 = arith.constant 0 : i32
      %dma_start3A_35 = tpu.memref_slice %arg4[%dma_start3A, %dma_start3A_34] : memref<100000x32xf32, #tpu.memory_space<hbm>> -> memref<100000x32xf32, #tpu.memory_space<hbm>>
      tpu.enqueue_indirect_dma source(%dma_start3A_35 : memref<100000x32xf32, #tpu.memory_space<hbm>>) target(%arg10 : memref<800x32xf32, #tpu.memory_space<vmem>>) offsets(%arg8 : memref<800xi32, #tpu.memory_space<vmem>>) semaphore(%arg12 : memref<!tpu.dma_semaphore, #tpu.memory_space<semaphore_mem>>)
      %dma_start3A_36 = arith.constant 0 : i32
      %dma_start3A_37 = arith.constant 0 : i32
      %dma_start3A_38 = tpu.memref_slice %arg5[%dma_start3A_36, %dma_start3A_37] : memref<19337x16xf32, #tpu.memory_space<hbm>> -> memref<19337x16xf32, #tpu.memory_space<hbm>>
      tpu.enqueue_indirect_dma source(%dma_start3A_38 : memref<19337x16xf32, #tpu.memory_space<hbm>>) target(%arg11 : memref<3200x16xf32, #tpu.memory_space<vmem>>) offsets(%arg9 : memref<3200xi32, #tpu.memory_space<vmem>>) semaphore(%arg12 : memref<!tpu.dma_semaphore, #tpu.memory_space<semaphore_mem>>)
      %dma_wait3A = arith.constant 0 : i32
      %dma_wait3A_39 = arith.constant 0 : i32
      %dma_wait3A_40 = tpu.memref_slice %arg4[%dma_wait3A, %dma_wait3A_39] : memref<100000x32xf32, #tpu.memory_space<hbm>> -> memref<100000x32xf32, #tpu.memory_space<hbm>>
      tpu.wait_indirect_dma semaphore(%arg12 : memref<!tpu.dma_semaphore, #tpu.memory_space<semaphore_mem>>) src(%dma_wait3A_40 : memref<100000x32xf32, #tpu.memory_space<hbm>>) dst(%arg10 : memref<800x32xf32, #tpu.memory_space<vmem>>)
      %dma_wait3A_41 = arith.constant 0 : i32
      %dma_wait3A_42 = arith.constant 0 : i32
      %dma_wait3A_43 = tpu.memref_slice %arg5[%dma_wait3A_41, %dma_wait3A_42] : memref<19337x16xf32, #tpu.memory_space<hbm>> -> memref<19337x16xf32, #tpu.memory_space<hbm>>
      tpu.wait_indirect_dma semaphore(%arg12 : memref<!tpu.dma_semaphore, #tpu.memory_space<semaphore_mem>>) src(%dma_wait3A_43 : memref<19337x16xf32, #tpu.memory_space<hbm>>) dst(%arg11 : memref<3200x16xf32, #tpu.memory_space<vmem>>)
      "tpu.region"() ({
        %run_scoped3A = tpu.sem_alloc : memref<!tpu.dma_semaphore, #tpu.memory_space<semaphore_mem>>
        %dma_start3A_50 = arith.constant 0 : i32
        %dma_start3A_51 = tpu.memref_slice %arg6[%mul3A_27, %dma_start3A_50] : memref<100000x32xf32, #tpu.memory_space<hbm>> -> memref<800x32xf32, #tpu.memory_space<hbm>>
        %dma_start3A_52 = arith.constant 0 : i32
        %dma_start3A_53 = tpu.memref_slice %arg6[%mul3A_27, %dma_start3A_52] : memref<100000x32xf32, #tpu.memory_space<hbm>> -> memref<800x32xf32, #tpu.memory_space<hbm>>
        tpu.enqueue_dma source(%arg10 : memref<800x32xf32, #tpu.memory_space<vmem>>) target(%dma_start3A_53 : memref<800x32xf32, #tpu.memory_space<hbm>>) target_semaphore(%run_scoped3A : memref<!tpu.dma_semaphore, #tpu.memory_space<semaphore_mem>>)
        %dma_wait3A_54 = arith.constant 0 : i32
        %dma_wait3A_55 = tpu.memref_slice %arg6[%mul3A_27, %dma_wait3A_54] : memref<100000x32xf32, #tpu.memory_space<hbm>> -> memref<800x32xf32, #tpu.memory_space<hbm>>
        %dma_wait3A_56 = arith.constant 0 : i32
        %dma_wait3A_57 = tpu.memref_slice %arg6[%mul3A_27, %dma_wait3A_56] : memref<100000x32xf32, #tpu.memory_space<hbm>> -> memref<800x32xf32, #tpu.memory_space<hbm>>
        tpu.wait_dma2 semaphore(%run_scoped3A : memref<!tpu.dma_semaphore, #tpu.memory_space<semaphore_mem>>) src(%arg10 : memref<800x32xf32, #tpu.memory_space<vmem>>) dst(%dma_wait3A_57 : memref<800x32xf32, #tpu.memory_space<hbm>>)
        tpu.yield
      }) : () -> ()
      "tpu.region"() ({
        %run_scoped3A = tpu.sem_alloc : memref<!tpu.dma_semaphore, #tpu.memory_space<semaphore_mem>>
        %dma_start3A_50 = arith.constant 0 : i32
        %dma_start3A_51 = tpu.memref_slice %arg7[%mul3A_29, %dma_start3A_50] : memref<800000x16xf32, #tpu.memory_space<hbm>> -> memref<3200x16xf32, #tpu.memory_space<hbm>>
        %dma_start3A_52 = arith.constant 0 : i32
        %dma_start3A_53 = tpu.memref_slice %arg7[%mul3A_29, %dma_start3A_52] : memref<800000x16xf32, #tpu.memory_space<hbm>> -> memref<3200x16xf32, #tpu.memory_space<hbm>>
        tpu.enqueue_dma source(%arg11 : memref<3200x16xf32, #tpu.memory_space<vmem>>) target(%dma_start3A_53 : memref<3200x16xf32, #tpu.memory_space<hbm>>) target_semaphore(%run_scoped3A : memref<!tpu.dma_semaphore, #tpu.memory_space<semaphore_mem>>)
        %dma_wait3A_54 = arith.constant 0 : i32
        %dma_wait3A_55 = tpu.memref_slice %arg7[%mul3A_29, %dma_wait3A_54] : memref<800000x16xf32, #tpu.memory_space<hbm>> -> memref<3200x16xf32, #tpu.memory_space<hbm>>
        %dma_wait3A_56 = arith.constant 0 : i32
        %dma_wait3A_57 = tpu.memref_slice %arg7[%mul3A_29, %dma_wait3A_56] : memref<800000x16xf32, #tpu.memory_space<hbm>> -> memref<3200x16xf32, #tpu.memory_space<hbm>>
        tpu.wait_dma2 semaphore(%run_scoped3A : memref<!tpu.dma_semaphore, #tpu.memory_space<semaphore_mem>>) src(%arg11 : memref<3200x16xf32, #tpu.memory_space<vmem>>) dst(%dma_wait3A_57 : memref<3200x16xf32, #tpu.memory_space<hbm>>)
        tpu.yield
      }) : () -> ()
      "tpu.region"() ({
        %run_scoped3A = tpu.sem_alloc : memref<!tpu.dma_semaphore, #tpu.memory_space<semaphore_mem>>
        %dma_start3A_50 = tpu.memref_slice %arg3[%mul3A_33] : memref<800000xi32, #tpu.memory_space<hbm>> -> memref<3200xi32, #tpu.memory_space<hbm>>
        %dma_start3A_51 = tpu.memref_slice %arg3[%mul3A_33] : memref<800000xi32, #tpu.memory_space<hbm>> -> memref<3200xi32, #tpu.memory_space<hbm>>
        tpu.enqueue_dma source(%dma_start3A_51 : memref<3200xi32, #tpu.memory_space<hbm>>) target(%arg9 : memref<3200xi32, #tpu.memory_space<vmem>>) target_semaphore(%run_scoped3A : memref<!tpu.dma_semaphore, #tpu.memory_space<semaphore_mem>>)
        %dma_wait3A_52 = tpu.memref_slice %arg3[%mul3A_33] : memref<800000xi32, #tpu.memory_space<hbm>> -> memref<3200xi32, #tpu.memory_space<hbm>>
        %dma_wait3A_53 = tpu.memref_slice %arg3[%mul3A_33] : memref<800000xi32, #tpu.memory_space<hbm>> -> memref<3200xi32, #tpu.memory_space<hbm>>
        tpu.wait_dma2 semaphore(%run_scoped3A : memref<!tpu.dma_semaphore, #tpu.memory_space<semaphore_mem>>) src(%dma_wait3A_53 : memref<3200xi32, #tpu.memory_space<hbm>>) dst(%arg9 : memref<3200xi32, #tpu.memory_space<vmem>>)
        tpu.yield
      }) : () -> ()
      %dma_start3A_44 = arith.constant 0 : i32
      %dma_start3A_45 = arith.constant 0 : i32
      %dma_start3A_46 = tpu.memref_slice %arg5[%dma_start3A_44, %dma_start3A_45] : memref<19337x16xf32, #tpu.memory_space<hbm>> -> memref<19337x16xf32, #tpu.memory_space<hbm>>
      tpu.enqueue_indirect_dma source(%dma_start3A_46 : memref<19337x16xf32, #tpu.memory_space<hbm>>) target(%arg11 : memref<3200x16xf32, #tpu.memory_space<vmem>>) offsets(%arg9 : memref<3200xi32, #tpu.memory_space<vmem>>) semaphore(%arg12 : memref<!tpu.dma_semaphore, #tpu.memory_space<semaphore_mem>>)
      %dma_wait3A_47 = arith.constant 0 : i32
      %dma_wait3A_48 = arith.constant 0 : i32
      %dma_wait3A_49 = tpu.memref_slice %arg5[%dma_wait3A_47, %dma_wait3A_48] : memref<19337x16xf32, #tpu.memory_space<hbm>> -> memref<19337x16xf32, #tpu.memory_space<hbm>>
      tpu.wait_indirect_dma semaphore(%arg12 : memref<!tpu.dma_semaphore, #tpu.memory_space<semaphore_mem>>) src(%dma_wait3A_49 : memref<19337x16xf32, #tpu.memory_space<hbm>>) dst(%arg11 : memref<3200x16xf32, #tpu.memory_space<vmem>>)
      "tpu.region"() ({
        %run_scoped3A = tpu.sem_alloc : memref<!tpu.dma_semaphore, #tpu.memory_space<semaphore_mem>>
        %dma_start3A_50 = arith.constant 0 : i32
        %dma_start3A_51 = tpu.memref_slice %arg7[%mul3A_33, %dma_start3A_50] : memref<800000x16xf32, #tpu.memory_space<hbm>> -> memref<3200x16xf32, #tpu.memory_space<hbm>>
        %dma_start3A_52 = arith.constant 0 : i32
        %dma_start3A_53 = tpu.memref_slice %arg7[%mul3A_33, %dma_start3A_52] : memref<800000x16xf32, #tpu.memory_space<hbm>> -> memref<3200x16xf32, #tpu.memory_space<hbm>>
        tpu.enqueue_dma source(%arg11 : memref<3200x16xf32, #tpu.memory_space<vmem>>) target(%dma_start3A_53 : memref<3200x16xf32, #tpu.memory_space<hbm>>) target_semaphore(%run_scoped3A : memref<!tpu.dma_semaphore, #tpu.memory_space<semaphore_mem>>)
        %dma_wait3A_54 = arith.constant 0 : i32
        %dma_wait3A_55 = tpu.memref_slice %arg7[%mul3A_33, %dma_wait3A_54] : memref<800000x16xf32, #tpu.memory_space<hbm>> -> memref<3200x16xf32, #tpu.memory_space<hbm>>
        %dma_wait3A_56 = arith.constant 0 : i32
        %dma_wait3A_57 = tpu.memref_slice %arg7[%mul3A_33, %dma_wait3A_56] : memref<800000x16xf32, #tpu.memory_space<hbm>> -> memref<3200x16xf32, #tpu.memory_space<hbm>>
        tpu.wait_dma2 semaphore(%run_scoped3A : memref<!tpu.dma_semaphore, #tpu.memory_space<semaphore_mem>>) src(%arg11 : memref<3200x16xf32, #tpu.memory_space<vmem>>) dst(%dma_wait3A_57 : memref<3200x16xf32, #tpu.memory_space<hbm>>)
        tpu.yield
      }) : () -> ()
    } else {
    }
    %add3A_12 = arith.constant 64 : i32
    %add3A_13 = arith.addi %add3A, %add3A_12 : i32
    %lt3A_14 = arith.constant 125 : i32
    %lt3A_15 = arith.cmpi slt, %add3A_13, %lt3A_14 : i32
    %convert_element_type3A_16 = arith.extui %lt3A_15 : i1 to i32
    %cond3A_17 = arith.constant 0 : i32
    %cond3A_18 = arith.cmpi ne, %convert_element_type3A_16, %cond3A_17 : i32
    scf.if %cond3A_18 {
      %mul3A_26 = arith.constant 800 : i32
      %mul3A_27 = arith.muli %add3A_13, %mul3A_26 : i32
      %mul3A_28 = arith.constant 8 : i32
      %mul3A_29 = arith.muli %mul3A_27, %mul3A_28 : i32
      %add3A_30 = arith.constant 400 : i32
      %add3A_31 = arith.addi %mul3A_27, %add3A_30 : i32
      %mul3A_32 = arith.constant 8 : i32
      %mul3A_33 = arith.muli %add3A_31, %mul3A_32 : i32
      "tpu.region"() ({
        %run_scoped3A = tpu.sem_alloc : memref<!tpu.dma_semaphore, #tpu.memory_space<semaphore_mem>>
        %dma_start3A_50 = tpu.memref_slice %arg2[%mul3A_27] : memref<100000xi32, #tpu.memory_space<hbm>> -> memref<800xi32, #tpu.memory_space<hbm>>
        %dma_start3A_51 = tpu.memref_slice %arg2[%mul3A_27] : memref<100000xi32, #tpu.memory_space<hbm>> -> memref<800xi32, #tpu.memory_space<hbm>>
        tpu.enqueue_dma source(%dma_start3A_51 : memref<800xi32, #tpu.memory_space<hbm>>) target(%arg8 : memref<800xi32, #tpu.memory_space<vmem>>) target_semaphore(%run_scoped3A : memref<!tpu.dma_semaphore, #tpu.memory_space<semaphore_mem>>)
        %dma_wait3A_52 = tpu.memref_slice %arg2[%mul3A_27] : memref<100000xi32, #tpu.memory_space<hbm>> -> memref<800xi32, #tpu.memory_space<hbm>>
        %dma_wait3A_53 = tpu.memref_slice %arg2[%mul3A_27] : memref<100000xi32, #tpu.memory_space<hbm>> -> memref<800xi32, #tpu.memory_space<hbm>>
        tpu.wait_dma2 semaphore(%run_scoped3A : memref<!tpu.dma_semaphore, #tpu.memory_space<semaphore_mem>>) src(%dma_wait3A_53 : memref<800xi32, #tpu.memory_space<hbm>>) dst(%arg8 : memref<800xi32, #tpu.memory_space<vmem>>)
        tpu.yield
      }) : () -> ()
      "tpu.region"() ({
        %run_scoped3A = tpu.sem_alloc : memref<!tpu.dma_semaphore, #tpu.memory_space<semaphore_mem>>
        %dma_start3A_50 = tpu.memref_slice %arg3[%mul3A_29] : memref<800000xi32, #tpu.memory_space<hbm>> -> memref<3200xi32, #tpu.memory_space<hbm>>
        %dma_start3A_51 = tpu.memref_slice %arg3[%mul3A_29] : memref<800000xi32, #tpu.memory_space<hbm>> -> memref<3200xi32, #tpu.memory_space<hbm>>
        tpu.enqueue_dma source(%dma_start3A_51 : memref<3200xi32, #tpu.memory_space<hbm>>) target(%arg9 : memref<3200xi32, #tpu.memory_space<vmem>>) target_semaphore(%run_scoped3A : memref<!tpu.dma_semaphore, #tpu.memory_space<semaphore_mem>>)
        %dma_wait3A_52 = tpu.memref_slice %arg3[%mul3A_29] : memref<800000xi32, #tpu.memory_space<hbm>> -> memref<3200xi32, #tpu.memory_space<hbm>>
        %dma_wait3A_53 = tpu.memref_slice %arg3[%mul3A_29] : memref<800000xi32, #tpu.memory_space<hbm>> -> memref<3200xi32, #tpu.memory_space<hbm>>
        tpu.wait_dma2 semaphore(%run_scoped3A : memref<!tpu.dma_semaphore, #tpu.memory_space<semaphore_mem>>) src(%dma_wait3A_53 : memref<3200xi32, #tpu.memory_space<hbm>>) dst(%arg9 : memref<3200xi32, #tpu.memory_space<vmem>>)
        tpu.yield
      }) : () -> ()
      %dma_start3A = arith.constant 0 : i32
      %dma_start3A_34 = arith.constant 0 : i32
      %dma_start3A_35 = tpu.memref_slice %arg4[%dma_start3A, %dma_start3A_34] : memref<100000x32xf32, #tpu.memory_space<hbm>> -> memref<100000x32xf32, #tpu.memory_space<hbm>>
      tpu.enqueue_indirect_dma source(%dma_start3A_35 : memref<100000x32xf32, #tpu.memory_space<hbm>>) target(%arg10 : memref<800x32xf32, #tpu.memory_space<vmem>>) offsets(%arg8 : memref<800xi32, #tpu.memory_space<vmem>>) semaphore(%arg12 : memref<!tpu.dma_semaphore, #tpu.memory_space<semaphore_mem>>)
      %dma_start3A_36 = arith.constant 0 : i32
      %dma_start3A_37 = arith.constant 0 : i32
      %dma_start3A_38 = tpu.memref_slice %arg5[%dma_start3A_36, %dma_start3A_37] : memref<19337x16xf32, #tpu.memory_space<hbm>> -> memref<19337x16xf32, #tpu.memory_space<hbm>>
      tpu.enqueue_indirect_dma source(%dma_start3A_38 : memref<19337x16xf32, #tpu.memory_space<hbm>>) target(%arg11 : memref<3200x16xf32, #tpu.memory_space<vmem>>) offsets(%arg9 : memref<3200xi32, #tpu.memory_space<vmem>>) semaphore(%arg12 : memref<!tpu.dma_semaphore, #tpu.memory_space<semaphore_mem>>)
      %dma_wait3A = arith.constant 0 : i32
      %dma_wait3A_39 = arith.constant 0 : i32
      %dma_wait3A_40 = tpu.memref_slice %arg4[%dma_wait3A, %dma_wait3A_39] : memref<100000x32xf32, #tpu.memory_space<hbm>> -> memref<100000x32xf32, #tpu.memory_space<hbm>>
      tpu.wait_indirect_dma semaphore(%arg12 : memref<!tpu.dma_semaphore, #tpu.memory_space<semaphore_mem>>) src(%dma_wait3A_40 : memref<100000x32xf32, #tpu.memory_space<hbm>>) dst(%arg10 : memref<800x32xf32, #tpu.memory_space<vmem>>)
      %dma_wait3A_41 = arith.constant 0 : i32
      %dma_wait3A_42 = arith.constant 0 : i32
      %dma_wait3A_43 = tpu.memref_slice %arg5[%dma_wait3A_41, %dma_wait3A_42] : memref<19337x16xf32, #tpu.memory_space<hbm>> -> memref<19337x16xf32, #tpu.memory_space<hbm>>
      tpu.wait_indirect_dma semaphore(%arg12 : memref<!tpu.dma_semaphore, #tpu.memory_space<semaphore_mem>>) src(%dma_wait3A_43 : memref<19337x16xf32, #tpu.memory_space<hbm>>) dst(%arg11 : memref<3200x16xf32, #tpu.memory_space<vmem>>)
      "tpu.region"() ({
        %run_scoped3A = tpu.sem_alloc : memref<!tpu.dma_semaphore, #tpu.memory_space<semaphore_mem>>
        %dma_start3A_50 = arith.constant 0 : i32
        %dma_start3A_51 = tpu.memref_slice %arg6[%mul3A_27, %dma_start3A_50] : memref<100000x32xf32, #tpu.memory_space<hbm>> -> memref<800x32xf32, #tpu.memory_space<hbm>>
        %dma_start3A_52 = arith.constant 0 : i32
        %dma_start3A_53 = tpu.memref_slice %arg6[%mul3A_27, %dma_start3A_52] : memref<100000x32xf32, #tpu.memory_space<hbm>> -> memref<800x32xf32, #tpu.memory_space<hbm>>
        tpu.enqueue_dma source(%arg10 : memref<800x32xf32, #tpu.memory_space<vmem>>) target(%dma_start3A_53 : memref<800x32xf32, #tpu.memory_space<hbm>>) target_semaphore(%run_scoped3A : memref<!tpu.dma_semaphore, #tpu.memory_space<semaphore_mem>>)
        %dma_wait3A_54 = arith.constant 0 : i32
        %dma_wait3A_55 = tpu.memref_slice %arg6[%mul3A_27, %dma_wait3A_54] : memref<100000x32xf32, #tpu.memory_space<hbm>> -> memref<800x32xf32, #tpu.memory_space<hbm>>
        %dma_wait3A_56 = arith.constant 0 : i32
        %dma_wait3A_57 = tpu.memref_slice %arg6[%mul3A_27, %dma_wait3A_56] : memref<100000x32xf32, #tpu.memory_space<hbm>> -> memref<800x32xf32, #tpu.memory_space<hbm>>
        tpu.wait_dma2 semaphore(%run_scoped3A : memref<!tpu.dma_semaphore, #tpu.memory_space<semaphore_mem>>) src(%arg10 : memref<800x32xf32, #tpu.memory_space<vmem>>) dst(%dma_wait3A_57 : memref<800x32xf32, #tpu.memory_space<hbm>>)
        tpu.yield
      }) : () -> ()
      "tpu.region"() ({
        %run_scoped3A = tpu.sem_alloc : memref<!tpu.dma_semaphore, #tpu.memory_space<semaphore_mem>>
        %dma_start3A_50 = arith.constant 0 : i32
        %dma_start3A_51 = tpu.memref_slice %arg7[%mul3A_29, %dma_start3A_50] : memref<800000x16xf32, #tpu.memory_space<hbm>> -> memref<3200x16xf32, #tpu.memory_space<hbm>>
        %dma_start3A_52 = arith.constant 0 : i32
        %dma_start3A_53 = tpu.memref_slice %arg7[%mul3A_29, %dma_start3A_52] : memref<800000x16xf32, #tpu.memory_space<hbm>> -> memref<3200x16xf32, #tpu.memory_space<hbm>>
        tpu.enqueue_dma source(%arg11 : memref<3200x16xf32, #tpu.memory_space<vmem>>) target(%dma_start3A_53 : memref<3200x16xf32, #tpu.memory_space<hbm>>) target_semaphore(%run_scoped3A : memref<!tpu.dma_semaphore, #tpu.memory_space<semaphore_mem>>)
        %dma_wait3A_54 = arith.constant 0 : i32
        %dma_wait3A_55 = tpu.memref_slice %arg7[%mul3A_29, %dma_wait3A_54] : memref<800000x16xf32, #tpu.memory_space<hbm>> -> memref<3200x16xf32, #tpu.memory_space<hbm>>
        %dma_wait3A_56 = arith.constant 0 : i32
        %dma_wait3A_57 = tpu.memref_slice %arg7[%mul3A_29, %dma_wait3A_56] : memref<800000x16xf32, #tpu.memory_space<hbm>> -> memref<3200x16xf32, #tpu.memory_space<hbm>>
        tpu.wait_dma2 semaphore(%run_scoped3A : memref<!tpu.dma_semaphore, #tpu.memory_space<semaphore_mem>>) src(%arg11 : memref<3200x16xf32, #tpu.memory_space<vmem>>) dst(%dma_wait3A_57 : memref<3200x16xf32, #tpu.memory_space<hbm>>)
        tpu.yield
      }) : () -> ()
      "tpu.region"() ({
        %run_scoped3A = tpu.sem_alloc : memref<!tpu.dma_semaphore, #tpu.memory_space<semaphore_mem>>
        %dma_start3A_50 = tpu.memref_slice %arg3[%mul3A_33] : memref<800000xi32, #tpu.memory_space<hbm>> -> memref<3200xi32, #tpu.memory_space<hbm>>
        %dma_start3A_51 = tpu.memref_slice %arg3[%mul3A_33] : memref<800000xi32, #tpu.memory_space<hbm>> -> memref<3200xi32, #tpu.memory_space<hbm>>
        tpu.enqueue_dma source(%dma_start3A_51 : memref<3200xi32, #tpu.memory_space<hbm>>) target(%arg9 : memref<3200xi32, #tpu.memory_space<vmem>>) target_semaphore(%run_scoped3A : memref<!tpu.dma_semaphore, #tpu.memory_space<semaphore_mem>>)
        %dma_wait3A_52 = tpu.memref_slice %arg3[%mul3A_33] : memref<800000xi32, #tpu.memory_space<hbm>> -> memref<3200xi32, #tpu.memory_space<hbm>>
        %dma_wait3A_53 = tpu.memref_slice %arg3[%mul3A_33] : memref<800000xi32, #tpu.memory_space<hbm>> -> memref<3200xi32, #tpu.memory_space<hbm>>
        tpu.wait_dma2 semaphore(%run_scoped3A : memref<!tpu.dma_semaphore, #tpu.memory_space<semaphore_mem>>) src(%dma_wait3A_53 : memref<3200xi32, #tpu.memory_space<hbm>>) dst(%arg9 : memref<3200xi32, #tpu.memory_space<vmem>>)
        tpu.yield
      }) : () -> ()
      %dma_start3A_44 = arith.constant 0 : i32
      %dma_start3A_45 = arith.constant 0 : i32
      %dma_start3A_46 = tpu.memref_slice %arg5[%dma_start3A_44, %dma_start3A_45] : memref<19337x16xf32, #tpu.memory_space<hbm>> -> memref<19337x16xf32, #tpu.memory_space<hbm>>
      tpu.enqueue_indirect_dma source(%dma_start3A_46 : memref<19337x16xf32, #tpu.memory_space<hbm>>) target(%arg11 : memref<3200x16xf32, #tpu.memory_space<vmem>>) offsets(%arg9 : memref<3200xi32, #tpu.memory_space<vmem>>) semaphore(%arg12 : memref<!tpu.dma_semaphore, #tpu.memory_space<semaphore_mem>>)
      %dma_wait3A_47 = arith.constant 0 : i32
      %dma_wait3A_48 = arith.constant 0 : i32
      %dma_wait3A_49 = tpu.memref_slice %arg5[%dma_wait3A_47, %dma_wait3A_48] : memref<19337x16xf32, #tpu.memory_space<hbm>> -> memref<19337x16xf32, #tpu.memory_space<hbm>>
      tpu.wait_indirect_dma semaphore(%arg12 : memref<!tpu.dma_semaphore, #tpu.memory_space<semaphore_mem>>) src(%dma_wait3A_49 : memref<19337x16xf32, #tpu.memory_space<hbm>>) dst(%arg11 : memref<3200x16xf32, #tpu.memory_space<vmem>>)
      "tpu.region"() ({
        %run_scoped3A = tpu.sem_alloc : memref<!tpu.dma_semaphore, #tpu.memory_space<semaphore_mem>>
        %dma_start3A_50 = arith.constant 0 : i32
        %dma_start3A_51 = tpu.memref_slice %arg7[%mul3A_33, %dma_start3A_50] : memref<800000x16xf32, #tpu.memory_space<hbm>> -> memref<3200x16xf32, #tpu.memory_space<hbm>>
        %dma_start3A_52 = arith.constant 0 : i32
        %dma_start3A_53 = tpu.memref_slice %arg7[%mul3A_33, %dma_start3A_52] : memref<800000x16xf32, #tpu.memory_space<hbm>> -> memref<3200x16xf32, #tpu.memory_space<hbm>>
        tpu.enqueue_dma source(%arg11 : memref<3200x16xf32, #tpu.memory_space<vmem>>) target(%dma_start3A_53 : memref<3200x16xf32, #tpu.memory_space<hbm>>) target_semaphore(%run_scoped3A : memref<!tpu.dma_semaphore, #tpu.memory_space<semaphore_mem>>)
        %dma_wait3A_54 = arith.constant 0 : i32
        %dma_wait3A_55 = tpu.memref_slice %arg7[%mul3A_33, %dma_wait3A_54] : memref<800000x16xf32, #tpu.memory_space<hbm>> -> memref<3200x16xf32, #tpu.memory_space<hbm>>
        %dma_wait3A_56 = arith.constant 0 : i32
        %dma_wait3A_57 = tpu.memref_slice %arg7[%mul3A_33, %dma_wait3A_56] : memref<800000x16xf32, #tpu.memory_space<hbm>> -> memref<3200x16xf32, #tpu.memory_space<hbm>>
        tpu.wait_dma2 semaphore(%run_scoped3A : memref<!tpu.dma_semaphore, #tpu.memory_space<semaphore_mem>>) src(%arg11 : memref<3200x16xf32, #tpu.memory_space<vmem>>) dst(%dma_wait3A_57 : memref<3200x16xf32, #tpu.memory_space<hbm>>)
        tpu.yield
      }) : () -> ()
    } else {
    }
    %add3A_19 = arith.constant 96 : i32
    %add3A_20 = arith.addi %add3A, %add3A_19 : i32
    %lt3A_21 = arith.constant 125 : i32
    %lt3A_22 = arith.cmpi slt, %add3A_20, %lt3A_21 : i32
    %convert_element_type3A_23 = arith.extui %lt3A_22 : i1 to i32
    %cond3A_24 = arith.constant 0 : i32
    %cond3A_25 = arith.cmpi ne, %convert_element_type3A_23, %cond3A_24 : i32
    scf.if %cond3A_25 {
      %mul3A_26 = arith.constant 800 : i32
      %mul3A_27 = arith.muli %add3A_20, %mul3A_26 : i32
      %mul3A_28 = arith.constant 8 : i32
      %mul3A_29 = arith.muli %mul3A_27, %mul3A_28 : i32
      %add3A_30 = arith.constant 400 : i32
      %add3A_31 = arith.addi %mul3A_27, %add3A_30 : i32
      %mul3A_32 = arith.constant 8 : i32
      %mul3A_33 = arith.muli %add3A_31, %mul3A_32 : i32
      "tpu.region"() ({
        %run_scoped3A = tpu.sem_alloc : memref<!tpu.dma_semaphore, #tpu.memory_space<semaphore_mem>>
        %dma_start3A_50 = tpu.memref_slice %arg2[%mul3A_27] : memref<100000xi32, #tpu.memory_space<hbm>> -> memref<800xi32, #tpu.memory_space<hbm>>
        %dma_start3A_51 = tpu.memref_slice %arg2[%mul3A_27] : memref<100000xi32, #tpu.memory_space<hbm>> -> memref<800xi32, #tpu.memory_space<hbm>>
        tpu.enqueue_dma source(%dma_start3A_51 : memref<800xi32, #tpu.memory_space<hbm>>) target(%arg8 : memref<800xi32, #tpu.memory_space<vmem>>) target_semaphore(%run_scoped3A : memref<!tpu.dma_semaphore, #tpu.memory_space<semaphore_mem>>)
        %dma_wait3A_52 = tpu.memref_slice %arg2[%mul3A_27] : memref<100000xi32, #tpu.memory_space<hbm>> -> memref<800xi32, #tpu.memory_space<hbm>>
        %dma_wait3A_53 = tpu.memref_slice %arg2[%mul3A_27] : memref<100000xi32, #tpu.memory_space<hbm>> -> memref<800xi32, #tpu.memory_space<hbm>>
        tpu.wait_dma2 semaphore(%run_scoped3A : memref<!tpu.dma_semaphore, #tpu.memory_space<semaphore_mem>>) src(%dma_wait3A_53 : memref<800xi32, #tpu.memory_space<hbm>>) dst(%arg8 : memref<800xi32, #tpu.memory_space<vmem>>)
        tpu.yield
      }) : () -> ()
      "tpu.region"() ({
        %run_scoped3A = tpu.sem_alloc : memref<!tpu.dma_semaphore, #tpu.memory_space<semaphore_mem>>
        %dma_start3A_50 = tpu.memref_slice %arg3[%mul3A_29] : memref<800000xi32, #tpu.memory_space<hbm>> -> memref<3200xi32, #tpu.memory_space<hbm>>
        %dma_start3A_51 = tpu.memref_slice %arg3[%mul3A_29] : memref<800000xi32, #tpu.memory_space<hbm>> -> memref<3200xi32, #tpu.memory_space<hbm>>
        tpu.enqueue_dma source(%dma_start3A_51 : memref<3200xi32, #tpu.memory_space<hbm>>) target(%arg9 : memref<3200xi32, #tpu.memory_space<vmem>>) target_semaphore(%run_scoped3A : memref<!tpu.dma_semaphore, #tpu.memory_space<semaphore_mem>>)
        %dma_wait3A_52 = tpu.memref_slice %arg3[%mul3A_29] : memref<800000xi32, #tpu.memory_space<hbm>> -> memref<3200xi32, #tpu.memory_space<hbm>>
        %dma_wait3A_53 = tpu.memref_slice %arg3[%mul3A_29] : memref<800000xi32, #tpu.memory_space<hbm>> -> memref<3200xi32, #tpu.memory_space<hbm>>
        tpu.wait_dma2 semaphore(%run_scoped3A : memref<!tpu.dma_semaphore, #tpu.memory_space<semaphore_mem>>) src(%dma_wait3A_53 : memref<3200xi32, #tpu.memory_space<hbm>>) dst(%arg9 : memref<3200xi32, #tpu.memory_space<vmem>>)
        tpu.yield
      }) : () -> ()
      %dma_start3A = arith.constant 0 : i32
      %dma_start3A_34 = arith.constant 0 : i32
      %dma_start3A_35 = tpu.memref_slice %arg4[%dma_start3A, %dma_start3A_34] : memref<100000x32xf32, #tpu.memory_space<hbm>> -> memref<100000x32xf32, #tpu.memory_space<hbm>>
      tpu.enqueue_indirect_dma source(%dma_start3A_35 : memref<100000x32xf32, #tpu.memory_space<hbm>>) target(%arg10 : memref<800x32xf32, #tpu.memory_space<vmem>>) offsets(%arg8 : memref<800xi32, #tpu.memory_space<vmem>>) semaphore(%arg12 : memref<!tpu.dma_semaphore, #tpu.memory_space<semaphore_mem>>)
      %dma_start3A_36 = arith.constant 0 : i32
      %dma_start3A_37 = arith.constant 0 : i32
      %dma_start3A_38 = tpu.memref_slice %arg5[%dma_start3A_36, %dma_start3A_37] : memref<19337x16xf32, #tpu.memory_space<hbm>> -> memref<19337x16xf32, #tpu.memory_space<hbm>>
      tpu.enqueue_indirect_dma source(%dma_start3A_38 : memref<19337x16xf32, #tpu.memory_space<hbm>>) target(%arg11 : memref<3200x16xf32, #tpu.memory_space<vmem>>) offsets(%arg9 : memref<3200xi32, #tpu.memory_space<vmem>>) semaphore(%arg12 : memref<!tpu.dma_semaphore, #tpu.memory_space<semaphore_mem>>)
      %dma_wait3A = arith.constant 0 : i32
      %dma_wait3A_39 = arith.constant 0 : i32
      %dma_wait3A_40 = tpu.memref_slice %arg4[%dma_wait3A, %dma_wait3A_39] : memref<100000x32xf32, #tpu.memory_space<hbm>> -> memref<100000x32xf32, #tpu.memory_space<hbm>>
      tpu.wait_indirect_dma semaphore(%arg12 : memref<!tpu.dma_semaphore, #tpu.memory_space<semaphore_mem>>) src(%dma_wait3A_40 : memref<100000x32xf32, #tpu.memory_space<hbm>>) dst(%arg10 : memref<800x32xf32, #tpu.memory_space<vmem>>)
      %dma_wait3A_41 = arith.constant 0 : i32
      %dma_wait3A_42 = arith.constant 0 : i32
      %dma_wait3A_43 = tpu.memref_slice %arg5[%dma_wait3A_41, %dma_wait3A_42] : memref<19337x16xf32, #tpu.memory_space<hbm>> -> memref<19337x16xf32, #tpu.memory_space<hbm>>
      tpu.wait_indirect_dma semaphore(%arg12 : memref<!tpu.dma_semaphore, #tpu.memory_space<semaphore_mem>>) src(%dma_wait3A_43 : memref<19337x16xf32, #tpu.memory_space<hbm>>) dst(%arg11 : memref<3200x16xf32, #tpu.memory_space<vmem>>)
      "tpu.region"() ({
        %run_scoped3A = tpu.sem_alloc : memref<!tpu.dma_semaphore, #tpu.memory_space<semaphore_mem>>
        %dma_start3A_50 = arith.constant 0 : i32
        %dma_start3A_51 = tpu.memref_slice %arg6[%mul3A_27, %dma_start3A_50] : memref<100000x32xf32, #tpu.memory_space<hbm>> -> memref<800x32xf32, #tpu.memory_space<hbm>>
        %dma_start3A_52 = arith.constant 0 : i32
        %dma_start3A_53 = tpu.memref_slice %arg6[%mul3A_27, %dma_start3A_52] : memref<100000x32xf32, #tpu.memory_space<hbm>> -> memref<800x32xf32, #tpu.memory_space<hbm>>
        tpu.enqueue_dma source(%arg10 : memref<800x32xf32, #tpu.memory_space<vmem>>) target(%dma_start3A_53 : memref<800x32xf32, #tpu.memory_space<hbm>>) target_semaphore(%run_scoped3A : memref<!tpu.dma_semaphore, #tpu.memory_space<semaphore_mem>>)
        %dma_wait3A_54 = arith.constant 0 : i32
        %dma_wait3A_55 = tpu.memref_slice %arg6[%mul3A_27, %dma_wait3A_54] : memref<100000x32xf32, #tpu.memory_space<hbm>> -> memref<800x32xf32, #tpu.memory_space<hbm>>
        %dma_wait3A_56 = arith.constant 0 : i32
        %dma_wait3A_57 = tpu.memref_slice %arg6[%mul3A_27, %dma_wait3A_56] : memref<100000x32xf32, #tpu.memory_space<hbm>> -> memref<800x32xf32, #tpu.memory_space<hbm>>
        tpu.wait_dma2 semaphore(%run_scoped3A : memref<!tpu.dma_semaphore, #tpu.memory_space<semaphore_mem>>) src(%arg10 : memref<800x32xf32, #tpu.memory_space<vmem>>) dst(%dma_wait3A_57 : memref<800x32xf32, #tpu.memory_space<hbm>>)
        tpu.yield
      }) : () -> ()
      "tpu.region"() ({
        %run_scoped3A = tpu.sem_alloc : memref<!tpu.dma_semaphore, #tpu.memory_space<semaphore_mem>>
        %dma_start3A_50 = arith.constant 0 : i32
        %dma_start3A_51 = tpu.memref_slice %arg7[%mul3A_29, %dma_start3A_50] : memref<800000x16xf32, #tpu.memory_space<hbm>> -> memref<3200x16xf32, #tpu.memory_space<hbm>>
        %dma_start3A_52 = arith.constant 0 : i32
        %dma_start3A_53 = tpu.memref_slice %arg7[%mul3A_29, %dma_start3A_52] : memref<800000x16xf32, #tpu.memory_space<hbm>> -> memref<3200x16xf32, #tpu.memory_space<hbm>>
        tpu.enqueue_dma source(%arg11 : memref<3200x16xf32, #tpu.memory_space<vmem>>) target(%dma_start3A_53 : memref<3200x16xf32, #tpu.memory_space<hbm>>) target_semaphore(%run_scoped3A : memref<!tpu.dma_semaphore, #tpu.memory_space<semaphore_mem>>)
        %dma_wait3A_54 = arith.constant 0 : i32
        %dma_wait3A_55 = tpu.memref_slice %arg7[%mul3A_29, %dma_wait3A_54] : memref<800000x16xf32, #tpu.memory_space<hbm>> -> memref<3200x16xf32, #tpu.memory_space<hbm>>
        %dma_wait3A_56 = arith.constant 0 : i32
        %dma_wait3A_57 = tpu.memref_slice %arg7[%mul3A_29, %dma_wait3A_56] : memref<800000x16xf32, #tpu.memory_space<hbm>> -> memref<3200x16xf32, #tpu.memory_space<hbm>>
        tpu.wait_dma2 semaphore(%run_scoped3A : memref<!tpu.dma_semaphore, #tpu.memory_space<semaphore_mem>>) src(%arg11 : memref<3200x16xf32, #tpu.memory_space<vmem>>) dst(%dma_wait3A_57 : memref<3200x16xf32, #tpu.memory_space<hbm>>)
        tpu.yield
      }) : () -> ()
      "tpu.region"() ({
        %run_scoped3A = tpu.sem_alloc : memref<!tpu.dma_semaphore, #tpu.memory_space<semaphore_mem>>
        %dma_start3A_50 = tpu.memref_slice %arg3[%mul3A_33] : memref<800000xi32, #tpu.memory_space<hbm>> -> memref<3200xi32, #tpu.memory_space<hbm>>
        %dma_start3A_51 = tpu.memref_slice %arg3[%mul3A_33] : memref<800000xi32, #tpu.memory_space<hbm>> -> memref<3200xi32, #tpu.memory_space<hbm>>
        tpu.enqueue_dma source(%dma_start3A_51 : memref<3200xi32, #tpu.memory_space<hbm>>) target(%arg9 : memref<3200xi32, #tpu.memory_space<vmem>>) target_semaphore(%run_scoped3A : memref<!tpu.dma_semaphore, #tpu.memory_space<semaphore_mem>>)
        %dma_wait3A_52 = tpu.memref_slice %arg3[%mul3A_33] : memref<800000xi32, #tpu.memory_space<hbm>> -> memref<3200xi32, #tpu.memory_space<hbm>>
        %dma_wait3A_53 = tpu.memref_slice %arg3[%mul3A_33] : memref<800000xi32, #tpu.memory_space<hbm>> -> memref<3200xi32, #tpu.memory_space<hbm>>
        tpu.wait_dma2 semaphore(%run_scoped3A : memref<!tpu.dma_semaphore, #tpu.memory_space<semaphore_mem>>) src(%dma_wait3A_53 : memref<3200xi32, #tpu.memory_space<hbm>>) dst(%arg9 : memref<3200xi32, #tpu.memory_space<vmem>>)
        tpu.yield
      }) : () -> ()
      %dma_start3A_44 = arith.constant 0 : i32
      %dma_start3A_45 = arith.constant 0 : i32
      %dma_start3A_46 = tpu.memref_slice %arg5[%dma_start3A_44, %dma_start3A_45] : memref<19337x16xf32, #tpu.memory_space<hbm>> -> memref<19337x16xf32, #tpu.memory_space<hbm>>
      tpu.enqueue_indirect_dma source(%dma_start3A_46 : memref<19337x16xf32, #tpu.memory_space<hbm>>) target(%arg11 : memref<3200x16xf32, #tpu.memory_space<vmem>>) offsets(%arg9 : memref<3200xi32, #tpu.memory_space<vmem>>) semaphore(%arg12 : memref<!tpu.dma_semaphore, #tpu.memory_space<semaphore_mem>>)
      %dma_wait3A_47 = arith.constant 0 : i32
      %dma_wait3A_48 = arith.constant 0 : i32
      %dma_wait3A_49 = tpu.memref_slice %arg5[%dma_wait3A_47, %dma_wait3A_48] : memref<19337x16xf32, #tpu.memory_space<hbm>> -> memref<19337x16xf32, #tpu.memory_space<hbm>>
      tpu.wait_indirect_dma semaphore(%arg12 : memref<!tpu.dma_semaphore, #tpu.memory_space<semaphore_mem>>) src(%dma_wait3A_49 : memref<19337x16xf32, #tpu.memory_space<hbm>>) dst(%arg11 : memref<3200x16xf32, #tpu.memory_space<vmem>>)
      "tpu.region"() ({
        %run_scoped3A = tpu.sem_alloc : memref<!tpu.dma_semaphore, #tpu.memory_space<semaphore_mem>>
        %dma_start3A_50 = arith.constant 0 : i32
        %dma_start3A_51 = tpu.memref_slice %arg7[%mul3A_33, %dma_start3A_50] : memref<800000x16xf32, #tpu.memory_space<hbm>> -> memref<3200x16xf32, #tpu.memory_space<hbm>>
        %dma_start3A_52 = arith.constant 0 : i32
        %dma_start3A_53 = tpu.memref_slice %arg7[%mul3A_33, %dma_start3A_52] : memref<800000x16xf32, #tpu.memory_space<hbm>> -> memref<3200x16xf32, #tpu.memory_space<hbm>>
        tpu.enqueue_dma source(%arg11 : memref<3200x16xf32, #tpu.memory_space<vmem>>) target(%dma_start3A_53 : memref<3200x16xf32, #tpu.memory_space<hbm>>) target_semaphore(%run_scoped3A : memref<!tpu.dma_semaphore, #tpu.memory_space<semaphore_mem>>)
        %dma_wait3A_54 = arith.constant 0 : i32
        %dma_wait3A_55 = tpu.memref_slice %arg7[%mul3A_33, %dma_wait3A_54] : memref<800000x16xf32, #tpu.memory_space<hbm>> -> memref<3200x16xf32, #tpu.memory_space<hbm>>
        %dma_wait3A_56 = arith.constant 0 : i32
        %dma_wait3A_57 = tpu.memref_slice %arg7[%mul3A_33, %dma_wait3A_56] : memref<800000x16xf32, #tpu.memory_space<hbm>> -> memref<3200x16xf32, #tpu.memory_space<hbm>>
        tpu.wait_dma2 semaphore(%run_scoped3A : memref<!tpu.dma_semaphore, #tpu.memory_space<semaphore_mem>>) src(%arg11 : memref<3200x16xf32, #tpu.memory_space<vmem>>) dst(%dma_wait3A_57 : memref<3200x16xf32, #tpu.memory_space<hbm>>)
        tpu.yield
      }) : () -> ()
    } else {
    }
    return
  }
}

module attributes {stable_mosaic.version = 14 : i64} {
  func.func @_tc_body(%arg0: i32, %arg1: memref<1000x32xf32, #tpu.memory_space<vmem>>, %arg2: memref<1000x128xf32, #tpu.memory_space<vmem>>, %arg3: memref<1000x144xf32, #tpu.memory_space<vmem>>, %arg4: memref<32x232xf32, #tpu.memory_space<vmem>>, %arg5: memref<128x232xf32, #tpu.memory_space<vmem>>, %arg6: memref<144x232xf32, #tpu.memory_space<vmem>>, %arg7: memref<1x232xf32, #tpu.memory_space<vmem>>, %arg8: memref<1000x232xf32, #tpu.memory_space<vmem>>) attributes {dimension_semantics = [#tpu.dimension_semantics<arbitrary>], iteration_bounds = array<i64: 100>, scalar_prefetch = 0 : i64, scratch_operands = 0 : i64, tpu.core_type = #tpu.core_type<tc>, window_params = [{transform_indices = @transform_0, window_bounds = array<i64: 1000, 32>}, {transform_indices = @transform_1, window_bounds = array<i64: 1000, 128>}, {transform_indices = @transform_2, window_bounds = array<i64: 1000, 144>}, {pipeline_mode = #tpu.pipeline_mode<synchronous>, transform_indices = @transform_3, window_bounds = array<i64: 32, 232>}, {pipeline_mode = #tpu.pipeline_mode<synchronous>, transform_indices = @transform_4, window_bounds = array<i64: 128, 232>}, {pipeline_mode = #tpu.pipeline_mode<synchronous>, transform_indices = @transform_5, window_bounds = array<i64: 144, 232>}, {pipeline_mode = #tpu.pipeline_mode<synchronous>, transform_indices = @transform_6, window_bounds = array<i64: 1, 232>}, {transform_indices = @transform_7, window_bounds = array<i64: 1000, 232>}]} {
    %get3A = arith.constant 0 : index
    %get3A_0 = arith.constant 0 : index
    %get3A_1 = vector.load %arg1[%get3A, %get3A_0] : memref<1000x32xf32, #tpu.memory_space<vmem>>, vector<1000x32xf32>
    %get3A_2 = arith.constant 0 : index
    %get3A_3 = arith.constant 0 : index
    %get3A_4 = vector.load %arg4[%get3A_2, %get3A_3] : memref<32x232xf32, #tpu.memory_space<vmem>>, vector<32x232xf32>
    %dot_general3A = arith.constant dense<0.000000e+00> : vector<1000x232xf32>
    %dot_general3A_5 = tpu.matmul %get3A_1, %get3A_4, %dot_general3A {dimension_numbers = #tpu.dot_dimension_numbers<[1], [0], [0], [1], [0, 0, 1, 1], [], []>, transpose_lhs_hint = false} : vector<1000x32xf32>, vector<32x232xf32>, vector<1000x232xf32> -> vector<1000x232xf32>
    %get3A_6 = arith.constant 0 : index
    %get3A_7 = arith.constant 0 : index
    %get3A_8 = vector.load %arg2[%get3A_6, %get3A_7] : memref<1000x128xf32, #tpu.memory_space<vmem>>, vector<1000x128xf32>
    %get3A_9 = arith.constant 0 : index
    %get3A_10 = arith.constant 0 : index
    %get3A_11 = vector.load %arg5[%get3A_9, %get3A_10] : memref<128x232xf32, #tpu.memory_space<vmem>>, vector<128x232xf32>
    %dot_general3A_12 = arith.constant dense<0.000000e+00> : vector<1000x232xf32>
    %dot_general3A_13 = tpu.matmul %get3A_8, %get3A_11, %dot_general3A_12 {dimension_numbers = #tpu.dot_dimension_numbers<[1], [0], [0], [1], [0, 0, 1, 1], [], []>, transpose_lhs_hint = false} : vector<1000x128xf32>, vector<128x232xf32>, vector<1000x232xf32> -> vector<1000x232xf32>
    %add3A = arith.addf %dot_general3A_5, %dot_general3A_13 : vector<1000x232xf32>
    %get3A_14 = arith.constant 0 : index
    %get3A_15 = arith.constant 0 : index
    %get3A_16 = vector.load %arg3[%get3A_14, %get3A_15] : memref<1000x144xf32, #tpu.memory_space<vmem>>, vector<1000x144xf32>
    %get3A_17 = arith.constant 0 : index
    %get3A_18 = arith.constant 0 : index
    %get3A_19 = vector.load %arg6[%get3A_17, %get3A_18] : memref<144x232xf32, #tpu.memory_space<vmem>>, vector<144x232xf32>
    %dot_general3A_20 = arith.constant dense<0.000000e+00> : vector<1000x232xf32>
    %dot_general3A_21 = tpu.matmul %get3A_16, %get3A_19, %dot_general3A_20 {dimension_numbers = #tpu.dot_dimension_numbers<[1], [0], [0], [1], [0, 0, 1, 1], [], []>, transpose_lhs_hint = false} : vector<1000x144xf32>, vector<144x232xf32>, vector<1000x232xf32> -> vector<1000x232xf32>
    %add3A_22 = arith.addf %add3A, %dot_general3A_21 : vector<1000x232xf32>
    %get3A_23 = arith.constant 0 : index
    %get3A_24 = arith.constant 0 : index
    %get3A_25 = vector.load %arg7[%get3A_23, %get3A_24] : memref<1x232xf32, #tpu.memory_space<vmem>>, vector<1x232xf32>
    %add3A_26 = vector.broadcast %get3A_25 : vector<1x232xf32> to vector<1000x232xf32>
    %add3A_27 = arith.addf %add3A_22, %add3A_26 : vector<1000x232xf32>
    %swap3A = arith.constant 0 : index
    %swap3A_28 = arith.constant 0 : index
    %swap3A_29 = vector.load %arg8[%swap3A, %swap3A_28] : memref<1000x232xf32, #tpu.memory_space<vmem>>, vector<1000x232xf32>
    tpu.vector_store %arg8[%swap3A, %swap3A_28], %add3A_27 {strides = array<i32>} : memref<1000x232xf32, #tpu.memory_space<vmem>>, vector<1000x232xf32>,
    return
  }
  func.func @transform_0(%arg0: i32) -> (i32, i32) {
    %c0_i32 = arith.constant 0 : i32
    %c0_i32_0 = arith.constant 0 : i32
    return %arg0, %c0_i32 : i32, i32
  }
  func.func @transform_1(%arg0: i32) -> (i32, i32) {
    %c0_i32 = arith.constant 0 : i32
    %c0_i32_0 = arith.constant 0 : i32
    return %arg0, %c0_i32 : i32, i32
  }
  func.func @transform_2(%arg0: i32) -> (i32, i32) {
    %c0_i32 = arith.constant 0 : i32
    %c0_i32_0 = arith.constant 0 : i32
    return %arg0, %c0_i32 : i32, i32
  }
  func.func @transform_3(%arg0: i32) -> (i32, i32) {
    %c0_i32 = arith.constant 0 : i32
    %c0_i32_0 = arith.constant 0 : i32
    %c0_i32_1 = arith.constant 0 : i32
    return %c0_i32, %c0_i32_0 : i32, i32
  }
  func.func @transform_4(%arg0: i32) -> (i32, i32) {
    %c0_i32 = arith.constant 0 : i32
    %c0_i32_0 = arith.constant 0 : i32
    %c0_i32_1 = arith.constant 0 : i32
    return %c0_i32, %c0_i32_0 : i32, i32
  }
  func.func @transform_5(%arg0: i32) -> (i32, i32) {
    %c0_i32 = arith.constant 0 : i32
    %c0_i32_0 = arith.constant 0 : i32
    %c0_i32_1 = arith.constant 0 : i32
    return %c0_i32, %c0_i32_0 : i32, i32
  }
  func.func @transform_6(%arg0: i32) -> (i32, i32) {
    %c0_i32 = arith.constant 0 : i32
    %c0_i32_0 = arith.constant 0 : i32
    %c0_i32_1 = arith.constant 0 : i32
    return %c0_i32, %c0_i32_0 : i32, i32
  }
  func.func @transform_7(%arg0: i32) -> (i32, i32) {
    %c0_i32 = arith.constant 0 : i32
    %c0_i32_0 = arith.constant 0 : i32
    return %arg0, %c0_i32 : i32, i32
  }
}

</mosaic_0001>

<sc_bundles>
// kernel: kernel.4.cloned.1.call-start
scs
__scs_entry_jumppad:
0x0: {  	(pc) =	sbr.rel $0x88, $3  }
0x1: {  	(tag) =	ssettag $0x0;
	lr =	simm.s32 $0x1  }
0x2: {  	[smem:$0x3F96] =	sst lr;
	_ =	strace $0xD0000000  }
0x3: {  	_ = 	snop  }
0x4: {  	_ = 	snop  }
0x5: {  	_ = 	snop  }
0x6: {  	_ = 	snop  }
0x7: {  	_ = 	snop  }
__scs_overlays_trampoline_lowered:
0x8: {  	[smem:$0x3FA5] =	sst s0  }
0x9: {  	[smem:$0x3FA6] =	sst s1  }
0xa: {  	[smem:$0x3FA7] =	sst s2  }
0xb: {  	[smem:$0x3FA8] =	sst s3  }
0xc: {  	[smem:$0x3FA9] =	sst s4  }
0xd: {  	[smem:$0x3FAA] =	sst s5  }
0xe: {  	[smem:$0x3FAB] =	sst s6  }
0xf: {  	[smem:$0x3FAC] =	sst s7  }
0x10: {  	[smem:$0x3FAD] =	sst s8  }
0x11: {  	[smem:$0x3FAE] =	sst s9;
	s0 =	simm.s32 @!p0 $0x0  }
0x12: {  	s1 =	sld [smem:$0x3F94];
	s0 =	simm.s32 @p0 $0x1  }
0x13: {  	[smem:$0x3FAF] =	sst s0;
	s0 =	simm.s32 @!p1 $0x0  }
0x14: {  	s2 =	sld [smem:$0x3F93];
	s0 =	simm.s32 @p1 $0x1  }
0x15: {  	[smem:$0x3FB0] =	sst s0;
	s0 =	simm.s32 @!p2 $0x0  }
0x16: {  	s3 =	sld [smem:$0x3FDB];
	s0 =	simm.s32 @p2 $0x1  }
0x17: {  	s4 =	simm.s32 $0x1BF5;
	[smem:$0x3FB2] =	sst s0  }
0x18: {  	s0 =	sld [smem:$0x3F95];
	_ =	swait.ge [sflag:s4], $0x0  }
0x19: {  	s7 =	sld [smem:$0x3F96]  }
0x1a: {  	s8 =	sadd.s32 $0xFFFFE003, lr  }
0x1b: {  	s9 =	sadd.s32 $0xFFFFFEF7, lr;
	s5 =	simm.s32 $0xFFFFFFFF;
	p2 =	slt.u32 s8, $0xFFFFF086  }
0x1c: {  	p1 =	slt.u32 s9, $0xF7A;
	s5 =	simm.s32 @!p2 $0x0  }
0x1d: {  	s5 =	simm.s32 @p1 $0x1;
	p0 =	seq.s32 s7, s2  }
0x1e: {  	s7 =	smul.u32 @!p0 $0xF7A, s2;
	p2 =	seq.s32 @!p0 s5, $0x0  }
0x1f: {  	s9 =	smul.u32 $0xF7A, s1;
	s8 =	simm.s32 @!p0 $0x1BF5;
	p2 =	por !p2, p0  }
0x20: {  	[sflag:s8] =	ssyncset.s32 @!p0 $0xFFFFF086;
	s6 =	sadd.s32 @!p0 s3, s7;
	s7 =	simm.s32 @!p0 $0x108  }
0x21: {  	s3 =	sadd.s32 s3, s9;
	s6 =	sadd.s32 @!p0 $0x88, s6;
	s7 =	simm.s32 @p2 $0x1082  }
0x22: {  	[simem:s7], [sflag:s8] =	dma.local @!p0 [hbm:s6], $0xF7A  }
0x23: {  	s9 =	sor.u32 $0xD0000000, s2;
	s6 =	simm.s32 $0x108;
	_ =	swait.ge @!p0 [sflag:s8], $0x0  }
0x24: {  	s3 =	sadd.s32 $0x88, s3;
	s6 =	simm.s32 @!p1 $0x1082;
	[sflag:s4] =	ssyncset.s32 $0xFFFFF086  }
0x25: {  	[simem:s6], [sflag:s4] =	dma.local [hbm:s3], $0xF7A  }
0x26: {  	[smem:$0x3F96] =	sst s1;
	(tag) =	ssettag s2;
	_ =	strace s9  }
0x27: {  	s1 =	sld [smem:$0x3FA6]  }
0x28: {  	s2 =	sld [smem:$0x3FA7]  }
0x29: {  	s4 =	sld [smem:$0x3FA9]  }
0x2a: {  	p0 =	seq.s32 s5, $0x0;
	s5 =	sld [smem:$0x3FAA]  }
0x2b: {  	s6 =	sld [smem:$0x3FAB]  }
0x2c: {  	s7 =	sld [smem:$0x3FAC]  }
0x2d: {  	s3 =	simm.s32 $0x108;
	s8 =	sld [smem:$0x3FAD]  }
0x2e: {  	s3 =	simm.s32 @!p0 $0x1082;
	s9 =	sld [smem:$0x3FAE]  }
0x2f: {  	lr =	sadd.s32 s0, s3;
	s0 =	sld [smem:$0x3FA5]  }
0x30: {  	s3 =	sld [smem:$0x3FA8]  }
0x31: {  	[smem:$0x3FB1] =	sst s10  }
0x32: {  	s10 =	sld [smem:$0x3FAF];
	_ =	sdelay $0x3  }
0x33: {  	p0 =	seq.s32 s10, $0x1;
	s10 =	sld [smem:$0x3FB1];
	_ =	sdelay $0x3  }
0x34: {  	[smem:$0x3FB1] =	sst s10  }
0x35: {  	s10 =	sld [smem:$0x3FB0];
	_ =	sdelay $0x3  }
0x36: {  	p1 =	seq.s32 s10, $0x1;
	s10 =	sld [smem:$0x3FB1];
	_ =	sdelay $0x3  }
0x37: {  	[smem:$0x3FB1] =	sst s10  }
0x38: {  	s10 =	sld [smem:$0x3FB2]  }
0x39: {  	_ = 	snop;
	(pc) =	sbr.ind lr, $3  }
0x3a: {  	_ = 	snop  }
0x3b: {  	_ = 	snop  }
0x3c: {  	p2 =	seq.s32 s10, $0x1;
	s10 =	sld [smem:$0x3FB1]  }
0x3d: {  	_ =	shalt  }
0x3e: {  	_ =	shalt  }
0x3f: {  	_ =	shalt  }
0x40: {  	_ =	shalt  }
0x41: {  	_ =	shalt  }
0x42: {  	_ =	shalt  }
0x43: {  	_ =	shalt  }
0x44: {  	_ =	shalt  }
0x45: {  	_ =	shalt  }
0x46: {  	_ =	shalt  }
0x47: {  	_ =	shalt  }
0x48: {  	_ =	shalt  }
0x49: {  	_ =	shalt  }
0x4a: {  	_ =	shalt  }
0x4b: {  	_ =	shalt  }
0x4c: {  	_ =	shalt  }
0x4d: {  	_ =	shalt  }
0x4e: {  	_ =	shalt  }
0x4f: {  	_ =	shalt  }
0x50: {  	_ =	shalt  }
0x51: {  	_ =	shalt  }
0x52: {  	_ =	shalt  }
0x53: {  	_ =	shalt  }
0x54: {  	_ =	shalt  }
0x55: {  	_ =	shalt  }
0x56: {  	_ =	shalt  }
0x57: {  	_ =	shalt  }
0x58: {  	_ =	shalt  }
0x59: {  	_ =	shalt  }
0x5a: {  	_ =	shalt  }
0x5b: {  	_ =	shalt  }
0x5c: {  	_ =	shalt  }
0x5d: {  	_ =	shalt  }
0x5e: {  	_ =	shalt  }
0x5f: {  	_ =	shalt  }
0x60: {  	_ =	shalt  }
0x61: {  	_ =	shalt  }
0x62: {  	_ =	shalt  }
0x63: {  	_ =	shalt  }
0x64: {  	_ =	shalt  }
0x65: {  	_ =	shalt  }
0x66: {  	_ =	shalt  }
0x67: {  	_ =	shalt  }
0x68: {  	_ =	shalt  }
0x69: {  	_ =	shalt  }
0x6a: {  	_ =	shalt  }
0x6b: {  	_ =	shalt  }
0x6c: {  	_ =	shalt  }
0x6d: {  	_ =	shalt  }
0x6e: {  	_ =	shalt  }
0x6f: {  	_ =	shalt  }
0x70: {  	_ =	shalt  }
0x71: {  	_ =	shalt  }
0x72: {  	_ =	shalt  }
0x73: {  	_ =	shalt  }
0x74: {  	_ =	shalt  }
0x75: {  	_ =	shalt  }
0x76: {  	_ =	shalt  }
0x77: {  	_ =	shalt  }
0x78: {  	_ =	shalt  }
0x79: {  	_ =	shalt  }
0x7a: {  	_ =	shalt  }
0x7b: {  	_ =	shalt  }
0x7c: {  	_ =	shalt  }
0x7d: {  	_ =	shalt  }
0x7e: {  	_ =	shalt  }
0x7f: {  	_ =	shalt  }
0x80: {  	_ =	shalt  }
0x81: {  	_ =	shalt  }
0x82: {  	_ =	shalt  }
0x83: {  	_ =	shalt  }
0x84: {  	_ =	shalt  }
0x85: {  	_ =	shalt  }
0x86: {  	_ =	shalt  }
0x87: {  	_ =	shalt  }
.Lfunc_end0:
.L_simem_size_0:
called_computation_lowered:
.L_overlay_start_0:
0x88: {  	s2 =	sld [smem:$0x3FD9]  }
0x89: {  	s3 =	sld [smem:$0x3FFE];
	_ =	sdelay $0x1  }
0x8a: {  	s1 =	srdreg.scid  }
0x8b: {  	s0 =	sand.u32 $0x1, s1  }
0x8c: {  	s17 =	sshll.u32 s0, $0xA;
	s2 =	sadd.s32 s3, s2  }
0x8d: {  	s2 =	sadd.s32 s2, s17  }
0x8e: {  	[smem:$0x3FBD] =	sst s2  }
0x8f: {  	_ = 	snop  }
0x90: {  	s2 =	sld [smem:$0x3FC9];
	(tm) =	ssettm $0x1  }
0x91: {  	s18 =	sld [smem:$0x3FFB];
	_ =	sdelay $0x3  }
0x92: {  	_ =	strace s18  }
0x93: {  	s3 =	sld [smem:$0x3FFC];
	_ =	sdelay $0x3  }
0x94: {  	_ =	strace s3  }
0x95: {  	s3 =	sld [smem:$0x3FFD];
	_ =	sdelay $0x3  }
0x96: {  	_ =	strace s3  }
0x97: {  	_ =	strace $0x8FFFFFFF  }
0x98: {  	s19 =	sld [smem:$0x3FDB];
	_ =	sdelay $0x1  }
0x99: {  	s4 =	simm.s32 $_scs_section_size  }
0x9a: {  	s5 =	simm.s32 $_size__tile_overlayer_lowered;
	s6 =	simm.s32 $_tile_overlayer_lowered  }
0x9b: {  	s22 =	simm.s32 $0x1BFF;
	s21 =	sshll.u32 s6, $0x1;
	s3 =	sadd.s32 s4, s19  }
0x9c: {  	s7 =	simm.s32 $0x0;
	s20 =	sshll.u32 s5, $0x1;
	s5 =	sadd.s32 s21, s3  }
0x9d: {  	[timem:s7], [sflag:s22] =	dma.local [hbm:s5], s20  }
0x9e: {  	_ =	swait.ge [sflag:s22], s20  }
0x9f: {  	s4 =	ssub.s32 $0x0, s20;
	[sflag:s22] =	ssyncset.done $0x0  }
0xa0: {  	[sflag:s22] =	ssyncadd.s32 s4;
	_ =	sdelay $0x1  }
0xa1: {  	s23 =	simm.s32 $0x1B8B  }
0xa2: {  	_ =	swait.ge [sflag:s23], $0x1  }
0xa3: {  	[sflag:s23] =	ssyncset.done $0x0  }
0xa4: {  	s25 =	simm.s32 $0x1B8E;
	s24 =	sld [smem:$0x3FFE];
	[sflag:s23] =	ssyncadd.s32 $0xFFFFFFFF  }
0xa5: {  	s26 =	simm.s32 $execute0_lowered;
	[smem:$0x3FD2] =	sst s25  }
0xa6: {  	s5 =	sshll.u32 s26, $0x1;
	_ =	strace $0x80000046;
	[dreg:$0x1] =	wrdreg $0xFFFFFFFF  }
0xa7: {  	s28 =	simm.s32 $_size_execute0_lowered;
	s3 =	sadd.s32 s3, s5;
	[dreg:$0x0] =	wrdreg $0x0  }
0xa8: {  	s5 =	sshll.u32 s28, $0x1;
	[dreg:$0x2] =	wrdreg s3  }
0xa9: {  	[dreg:$0x3] =	wrdreg s5  }
0xaa: {  	[dreg:$0x4] =	wrdreg $0xC0  }
0xab: {  	_ =	task [dreg:s7], $0x5FFFF  }
0xac: {  	[dreg:$0x1] =	wrdreg $0xFFFFFFFF  }
0xad: {  	[dreg:$0x0] =	wrdreg $0x60  }
0xae: {  	[dreg:$0x2] =	wrdreg s2  }
0xaf: {  	[dreg:$0x3] =	wrdreg s24  }
0xb0: {  	[dreg:$0x4] =	wrdreg $0x9  }
0xb1: {  	_ =	task.clear_ibuf [dreg:s7], $0x5FFFF;
	_ =	strace $0x90000046  }
0xb2: {  	s29 =	simm.s32 $0x9;
	_ =	strace $0x80000048  }
0xb3: {  	_ =	swait.ge [sflag:s29], $0x1  }
0xb4: {  	[sflag:s29] =	ssyncadd.s32 $0xFFFFFFFF  }
0xb5: {  	_ =	strace $0x90000048  }
0xb6: {  	_ =	sfence  }
0xb7: {  	s30 =	sld [smem:$0x0];
	_ =	sdelay $0x2  }
0xb8: {  	s31 =	sshll.u32 s1, $0xD;
	s1 =	sshrl.u32 s1, $0x2  }
0xb9: {  	s3 =	sand.u32 $0x4000, s31;
	s1 =	sadd.s32 s1, s30  }
0xba: {  	s0 =	sor.u32 s3, s0;
	s1 =	sshll.u32 s1, $0x11  }
0xbb: {  	s0 =	sor.u32 s1, s0  }
0xbc: {  	s0 =	sadd.s32 $0x8F2B, s0  }
0xbd: {  	[sflag:s0] =	ssyncadd.remote.s32 $0x1  }
0xbe: {  	_ =	sfence.sel $0xFFFF  }
0xbf: {  	[dreg:$0x0] =	wrdreg $0xFFFFFFFF;
	(pc) =	sbr.abs _section_cstart, $3  }
0xc0: {  	[dreg:$0x1] =	wrdreg $0xFFFFFFFF  }
0xc1: {  	_ =	task.clear_ibuf [dreg:s7], $0x2FFFF;
	_ =	strace $0x9FFFFFFF  }
0xc2: {  	(tm) =	ssettm $0x7FFFFFFF  }
0xc3: {  	_ =	shalt  }
tec
execute0_lowered:
.L_overlay_start_1:
0x0: {  	(tag) =	ssettag $0x1  }
0x1: {  	s0 =	srdreg.scid;
	s1 =	stileid.u32  }
0x2: {  	s19 =	rddreg [dreg:$0x0];
	s0 =	sand.u32 $0x1, s0;
	s1 =	sshll.u32 s1, $0x1  }
0x3: {  	s6 =	rddreg [dreg:$0x1];
	s2 =	simm.s32 $0x0;
	s20 =	sor.u32 s0, s1  }
0x4: {  	[smem:$0x7FF] =	sst s2;
	s3 =	smul.u32 $0x1900, s20  }
0x5: {  	s31 =	sadd.s32 $0xA800, s6;
	[dreg:$0xe] =	wrdreg s0;
	s1 =	smul.u32 $0x64, s20  }
0x6: {  	s29 =	sadd.s32 $0x84C00, s6;
	_ =	strace $0x80000047;
	s4 =	smul.u32 $0x320, s20  }
0x7: {  	s5 =	smul.u32 $0xC80, s20;
	s11 =	sor.u32 $0x20, s20;
	s1 =	sadd.s32 s19, s1  }
0x8: {  	s8 =	smul.u32 $0x320, s11;
	s4 =	sadd.s32 s31, s4;
	[dreg:$0x3] =	wrdreg s1  }
0x9: {  	s7 =	smul.u32 $0x3200, s20;
	s26 =	sadd.s32 s29, s5;
	[dreg:$0x4] =	wrdreg s4  }
0xa: {  	s12 =	smul.u32 $0xC80, s11;
	[dreg:$0x5] =	wrdreg s26;
	s10 =	sadd.s32 s31, s8  }
0xb: {  	s3 =	sadd.s32 $0xC80, s3;
	s1 =	sadd.s32 $0xE6800, s6;
	[dreg:$0xa] =	wrdreg s10  }
0xc: {  	s5 =	sshrl.u32 s3, $0x3;
	s0 =	sadd.s32 s1, s7;
	s14 =	rddreg [dreg:$0x3]  }
0xd: {  	s3 =	sshll.u32 s3, $0x1;
	s4 =	sadd.s32 s31, s5;
	[dreg:$0x6] =	wrdreg s0  }
0xe: {  	s13 =	smul.u32 $0x3200, s11;
	s3 =	sadd.s32 s1, s3;
	[dreg:$0x7] =	wrdreg s4  }
0xf: {  	s7 =	smul.u32 $0x64, s11;
	[dreg:$0x8] =	wrdreg s3;
	s4 =	sadd.s32 s29, s12  }
0x10: {  	[tilespmem:s2], [sflag:$0x2] =	stream.linear.gather [hbm4b:s14+s2], $0x320, $0x38;
	[tilespmem:$0x13BA0] =	vst v63  }
0x11: {  	s3 =	sadd.s32 s1, s13;
	[dreg:$0xb] =	wrdreg s4  }
0x12: {  	s9 =	sadd.s32 s19, s7;
	[dreg:$0xc] =	wrdreg s3  }
0x13: {  	s3 =	simm.s32 $0x2;
	[dreg:$0x9] =	wrdreg s9  }
0x14: {  	_ =	swait.ge [sflag:s3], $0x320  }
0x15: {  	[sflag:s3] =	ssyncset.done $0x0  }
0x16: {  	s4 =	simm.s32 $0x320;
	s15 =	rddreg [dreg:$0x4];
	[sflag:s3] =	ssyncadd.s32 $0xFFFFFCE0  }
0x17: {  	[tilespmem:s4], [sflag:$0x2] =	stream.linear.gather [hbm4b:s15+s2], $0xC80, $0x38;
	[tilespmem:$0x13BA0] =	vst v63  }
0x18: {  	_ =	swait.ge [sflag:s3], $0xC80  }
0x19: {  	s8 =	simm.s32 $0xC80;
	[sflag:s3] =	ssyncset.done $0x0  }
0x1a: {  	s5 =	sadd.s32 $0x23000, s6;
	s7 =	simm.s32 $0xFA0;
	[sflag:s3] =	ssyncadd.s32 $0xFFFFF380  }
0x1b: {  	[tilespmem:s7], [sflag:$0x1] =	stream.indirect.gather [hbm4b:s5+s4], $0x20, s2, s4, $0xb8;
	[tilespmem:$0x13BA0] =	vst v63  }
0x1c: {  	s6 =	sadd.s32 $0x1000, s6;
	s10 =	simm.s32 $0x1;
	s9 =	simm.s32 $0x73A0  }
0x1d: {  	[tilespmem:s9], [sflag:$0x1] =	stream.indirect.gather [hbm4b:s6+s8], $0x10, s4, s8, $0xb8;
	[tilespmem:$0x13BA0] =	vst v63  }
0x1e: {  	_ =	swait.ge [sflag:s10], $0x6400  }
0x1f: {  	[sflag:s10] =	ssyncset.done $0x0  }
0x20: {  	[sflag:s10] =	ssyncadd.s32 $0xFFFF9C00  }
0x21: {  	_ =	swait.ge [sflag:s10], $0xC800  }
0x22: {  	[sflag:s10] =	ssyncset.done $0x0  }
0x23: {  	s12 =	rddreg [dreg:$0x5];
	[sflag:s10] =	ssyncadd.s32 $0xFFFF3800  }
0x24: {  	[hbm4b:s12+s2] =	stream.linear.scatter [tilespmem:s7], [sflag:$0x2], $0x6400, $0x38;
	[tilespmem:$0x13BA0] =	vst v63  }
0x25: {  	_ =	swait.ge [sflag:s3], $0x6400  }
0x26: {  	[sflag:s3] =	ssyncset.done $0x0  }
0x27: {  	s16 =	rddreg [dreg:$0x6];
	[sflag:s3] =	ssyncadd.s32 $0xFFFF9C00  }
0x28: {  	[hbm4b:s16+s2] =	stream.linear.scatter [tilespmem:s9], [sflag:$0x2], $0xC800, $0x38;
	[tilespmem:$0x13BA0] =	vst v63  }
0x29: {  	_ =	swait.ge [sflag:s3], $0xC800  }
0x2a: {  	[sflag:s3] =	ssyncset.done $0x0  }
0x2b: {  	s17 =	rddreg [dreg:$0x7];
	[sflag:s3] =	ssyncadd.s32 $0xFFFF3800  }
0x2c: {  	[tilespmem:s4], [sflag:$0x2] =	stream.linear.gather [hbm4b:s17+s2], $0xC80, $0x38;
	[tilespmem:$0x13BA0] =	vst v63  }
0x2d: {  	_ =	swait.ge [sflag:s3], $0xC80  }
0x2e: {  	[sflag:s3] =	ssyncset.done $0x0  }
0x2f: {  	[sflag:s3] =	ssyncadd.s32 $0xFFFFF380  }
0x30: {  	[tilespmem:s9], [sflag:$0x1] =	stream.indirect.gather [hbm4b:s6+s8], $0x10, s4, s8, $0xb8;
	[tilespmem:$0x13BA0] =	vst v63  }
0x31: {  	_ =	swait.ge [sflag:s10], $0xC800  }
0x32: {  	[sflag:s10] =	ssyncset.done $0x0  }
0x33: {  	s18 =	rddreg [dreg:$0x8];
	[sflag:s10] =	ssyncadd.s32 $0xFFFF3800  }
0x34: {  	[hbm4b:s18+s2] =	stream.linear.scatter [tilespmem:s9], [sflag:$0x2], $0xC800, $0x38;
	[tilespmem:$0x13BA0] =	vst v63  }
0x35: {  	_ =	swait.ge [sflag:s3], $0xC800  }
0x36: {  	[sflag:s3] =	ssyncset.done $0x0  }
0x37: {  	s21 =	rddreg [dreg:$0x9];
	[sflag:s3] =	ssyncadd.s32 $0xFFFF3800  }
0x38: {  	[tilespmem:s2], [sflag:$0x2] =	stream.linear.gather [hbm4b:s21+s2], $0x320, $0x38;
	[tilespmem:$0x13BA0] =	vst v63  }
0x39: {  	_ =	swait.ge [sflag:s3], $0x320  }
0x3a: {  	[sflag:s3] =	ssyncset.done $0x0  }
0x3b: {  	s22 =	rddreg [dreg:$0xa];
	[sflag:s3] =	ssyncadd.s32 $0xFFFFFCE0  }
0x3c: {  	[tilespmem:s4], [sflag:$0x2] =	stream.linear.gather [hbm4b:s22+s2], $0xC80, $0x38;
	[tilespmem:$0x13BA0] =	vst v63  }
0x3d: {  	_ =	swait.ge [sflag:s3], $0xC80  }
0x3e: {  	[sflag:s3] =	ssyncset.done $0x0  }
0x3f: {  	[sflag:s3] =	ssyncadd.s32 $0xFFFFF380  }
0x40: {  	[tilespmem:s7], [sflag:$0x1] =	stream.indirect.gather [hbm4b:s5+s4], $0x20, s2, s4, $0xb8;
	[tilespmem:$0x13BA0] =	vst v63  }
0x41: {  	_ = 	snop  }
0x42: {  	[tilespmem:s9], [sflag:$0x1] =	stream.indirect.gather [hbm4b:s6+s8], $0x10, s4, s8, $0xb8;
	[tilespmem:$0x13BA0] =	vst v63  }
0x43: {  	_ =	swait.ge [sflag:s10], $0x6400  }
0x44: {  	[sflag:s10] =	ssyncset.done $0x0  }
0x45: {  	[sflag:s10] =	ssyncadd.s32 $0xFFFF9C00  }
0x46: {  	_ =	swait.ge [sflag:s10], $0xC800  }
0x47: {  	[sflag:s10] =	ssyncset.done $0x0  }
0x48: {  	s23 =	rddreg [dreg:$0xb];
	[sflag:s10] =	ssyncadd.s32 $0xFFFF3800  }
0x49: {  	[hbm4b:s23+s2] =	stream.linear.scatter [tilespmem:s7], [sflag:$0x2], $0x6400, $0x38;
	[tilespmem:$0x13BA0] =	vst v63  }
0x4a: {  	s11 =	smul.u32 $0x1900, s11;
	_ =	swait.ge [sflag:s3], $0x6400  }
0x4b: {  	[sflag:s3] =	ssyncset.done $0x0  }
0x4c: {  	s25 =	sadd.s32 $0xC80, s11;
	s24 =	rddreg [dreg:$0xc];
	[sflag:s3] =	ssyncadd.s32 $0xFFFF9C00  }
0x4d: {  	[hbm4b:s24+s2] =	stream.linear.scatter [tilespmem:s9], [sflag:$0x2], $0xC800, $0x38;
	[tilespmem:$0x13BA0] =	vst v63  }
0x4e: {  	s11 =	sshrl.u32 s25, $0x3;
	_ =	swait.ge [sflag:s3], $0xC800  }
0x4f: {  	s26 =	sadd.s32 s31, s11;
	[sflag:s3] =	ssyncset.done $0x0  }
0x50: {  	[dreg:$0xd] =	wrdreg s26;
	[sflag:s3] =	ssyncadd.s32 $0xFFFF3800  }
0x51: {  	[tilespmem:s4], [sflag:$0x2] =	stream.linear.gather [hbm4b:s26+s2], $0xC80, $0x38;
	[tilespmem:$0x13BA0] =	vst v63  }
0x52: {  	_ =	swait.ge [sflag:s3], $0xC80  }
0x53: {  	[sflag:s3] =	ssyncset.done $0x0  }
0x54: {  	[sflag:s3] =	ssyncadd.s32 $0xFFFFF380  }
0x55: {  	[tilespmem:s9], [sflag:$0x1] =	stream.indirect.gather [hbm4b:s6+s8], $0x10, s4, s8, $0xb8;
	[tilespmem:$0x13BA0] =	vst v63  }
0x56: {  	s12 =	sshll.u32 s25, $0x1;
	_ =	swait.ge [sflag:s10], $0xC800  }
0x57: {  	s12 =	sand.u32 $0x1FFFFF00, s12;
	[sflag:s10] =	ssyncset.done $0x0  }
0x58: {  	s12 =	sadd.s32 s1, s12;
	s16 =	sor.u32 $0x40, s20;
	[sflag:s10] =	ssyncadd.s32 $0xFFFF3800  }
0x59: {  	[hbm4b:s12+s2] =	stream.linear.scatter [tilespmem:s9], [sflag:$0x2], $0xC800, $0x38;
	[tilespmem:$0x13BA0] =	vst v63  }
0x5a: {  	s13 =	smul.u32 $0x64, s16;
	_ =	swait.ge [sflag:s3], $0xC800  }
0x5b: {  	[sflag:s3] =	ssyncset.done $0x0  }
0x5c: {  	s13 =	sadd.s32 s19, s13;
	[sflag:s3] =	ssyncadd.s32 $0xFFFF3800  }
0x5d: {  	[tilespmem:s2], [sflag:$0x2] =	stream.linear.gather [hbm4b:s13+s2], $0x320, $0x38;
	[tilespmem:$0x13BA0] =	vst v63  }
0x5e: {  	s14 =	smul.u32 $0x320, s16;
	_ =	swait.ge [sflag:s3], $0x320  }
0x5f: {  	[sflag:s3] =	ssyncset.done $0x0  }
0x60: {  	s14 =	sadd.s32 s31, s14;
	[sflag:s3] =	ssyncadd.s32 $0xFFFFFCE0  }
0x61: {  	[tilespmem:s4], [sflag:$0x2] =	stream.linear.gather [hbm4b:s14+s2], $0xC80, $0x38;
	[tilespmem:$0x13BA0] =	vst v63  }
0x62: {  	_ =	swait.ge [sflag:s3], $0xC80  }
0x63: {  	[sflag:s3] =	ssyncset.done $0x0  }
0x64: {  	[sflag:s3] =	ssyncadd.s32 $0xFFFFF380  }
0x65: {  	[tilespmem:s7], [sflag:$0x1] =	stream.indirect.gather [hbm4b:s5+s4], $0x20, s2, s4, $0xb8;
	[tilespmem:$0x13BA0] =	vst v63  }
0x66: {  	_ = 	snop  }
0x67: {  	[tilespmem:s9], [sflag:$0x1] =	stream.indirect.gather [hbm4b:s6+s8], $0x10, s4, s8, $0xb8;
	[tilespmem:$0x13BA0] =	vst v63  }
0x68: {  	_ =	swait.ge [sflag:s10], $0x6400  }
0x69: {  	[sflag:s10] =	ssyncset.done $0x0  }
0x6a: {  	[sflag:s10] =	ssyncadd.s32 $0xFFFF9C00  }
0x6b: {  	s15 =	smul.u32 $0xC80, s16;
	_ =	swait.ge [sflag:s10], $0xC800  }
0x6c: {  	[sflag:s10] =	ssyncset.done $0x0  }
0x6d: {  	s15 =	sadd.s32 s29, s15;
	[sflag:s10] =	ssyncadd.s32 $0xFFFF3800  }
0x6e: {  	[hbm4b:s15+s2] =	stream.linear.scatter [tilespmem:s7], [sflag:$0x2], $0x6400, $0x38;
	[tilespmem:$0x13BA0] =	vst v63  }
0x6f: {  	s17 =	smul.u32 $0x3200, s16;
	_ =	swait.ge [sflag:s3], $0x6400  }
0x70: {  	[sflag:s3] =	ssyncset.done $0x0  }
0x71: {  	s18 =	smul.u32 $0x1900, s16;
	s16 =	sadd.s32 s1, s17;
	[sflag:s3] =	ssyncadd.s32 $0xFFFF9C00  }
0x72: {  	[hbm4b:s16+s2] =	stream.linear.scatter [tilespmem:s9], [sflag:$0x2], $0xC800, $0x38;
	[tilespmem:$0x13BA0] =	vst v63  }
0x73: {  	s18 =	sadd.s32 $0xC80, s18;
	_ =	swait.ge [sflag:s3], $0xC800  }
0x74: {  	s0 =	sshrl.u32 s18, $0x3;
	[sflag:s3] =	ssyncset.done $0x0  }
0x75: {  	s17 =	sadd.s32 s31, s0;
	[sflag:s3] =	ssyncadd.s32 $0xFFFF3800  }
0x76: {  	[tilespmem:s4], [sflag:$0x2] =	stream.linear.gather [hbm4b:s17+s2], $0xC80, $0x38;
	[tilespmem:$0x13BA0] =	vst v63  }
0x77: {  	_ =	swait.ge [sflag:s3], $0xC80  }
0x78: {  	[sflag:s3] =	ssyncset.done $0x0  }
0x79: {  	s30 =	sor.u32 $0x60, s20;
	[sflag:s3] =	ssyncadd.s32 $0xFFFFF380  }
0x7a: {  	[tilespmem:s9], [sflag:$0x1] =	stream.indirect.gather [hbm4b:s6+s8], $0x10, s4, s8, $0xb8;
	[tilespmem:$0x13BA0] =	vst v63  }
0x7b: {  	s11 =	smov.u32 s1;
	s18 =	sshll.u32 s18, $0x1;
	_ =	swait.ge [sflag:s10], $0xC800  }
0x7c: {  	s18 =	sand.u32 $0x1FFFFF00, s18;
	s21 =	smul.u32 $0x64, s30;
	[sflag:s10] =	ssyncset.done $0x0  }
0x7d: {  	s18 =	sadd.s32 s1, s18;
	[dreg:$0xf] =	wrdreg s11;
	[sflag:s10] =	ssyncadd.s32 $0xFFFF3800  }
0x7e: {  	[hbm4b:s18+s2] =	stream.linear.scatter [tilespmem:s9], [sflag:$0x2], $0xC800, $0x38;
	[tilespmem:$0x13BA0] =	vst v63  }
0x7f: {  	_ =	swait.ge [sflag:s3], $0xC800  }
0x80: {  	p0 =	sgt.u32 s20, $0x1C;
	s20 =	sadd.s32 s19, s21;
	[sflag:s3] =	ssyncset.done $0x0  }
0x81: {  	s21 =	simm.s32 @!p0 $0x0;
	s19 =	simm.s32 @!p0 $0x2;
	[sflag:s3] =	ssyncadd.s32 $0xFFFF3800  }
0x82: {  	[tilespmem:s21], [sflag:$0x2] =	stream.linear.gather @!p0 [hbm4b:s20+s21], $0x320, $0x38;
	[tilespmem:$0x13BA0] =	vst v63  }
0x83: {  	s22 =	smul.u32 $0x320, s30;
	_ =	swait.ge @!p0 [sflag:s19], $0x320  }
0x84: {  	[sflag:s19] =	ssyncset.done @!p0 $0x0  }
0x85: {  	s22 =	sadd.s32 s31, s22;
	s23 =	simm.s32 @!p0 $0x320;
	[sflag:s19] =	ssyncadd.s32 @!p0 $0xFFFFFCE0  }
0x86: {  	[tilespmem:s23], [sflag:$0x2] =	stream.linear.gather @!p0 [hbm4b:s22+s21], $0xC80, $0x38;
	[tilespmem:$0x13BA0] =	vst v63  }
0x87: {  	_ =	swait.ge @!p0 [sflag:s19], $0xC80  }
0x88: {  	[sflag:s19] =	ssyncset.done @!p0 $0x0  }
0x89: {  	s24 =	simm.s32 @!p0 $0xFA0;
	[sflag:s19] =	ssyncadd.s32 @!p0 $0xFFFFF380  }
0x8a: {  	[tilespmem:s24], [sflag:$0x1] =	stream.indirect.gather @!p0 [hbm4b:s5+s23], $0x20, s21, s23, $0xb8;
	[tilespmem:$0x13BA0] =	vst v63  }
0x8b: {  	s28 =	simm.s32 @!p0 $0x1;
	s25 =	simm.s32 @!p0 $0xC80;
	s26 =	simm.s32 @!p0 $0x73A0  }
0x8c: {  	[tilespmem:s26], [sflag:$0x1] =	stream.indirect.gather @!p0 [hbm4b:s6+s25], $0x10, s23, s25, $0xb8;
	[tilespmem:$0x13BA0] =	vst v63  }
0x8d: {  	_ =	swait.ge @!p0 [sflag:s28], $0x6400  }
0x8e: {  	[sflag:s28] =	ssyncset.done @!p0 $0x0  }
0x8f: {  	[sflag:s28] =	ssyncadd.s32 @!p0 $0xFFFF9C00  }
0x90: {  	s1 =	smul.u32 $0xC80, s30;
	_ =	swait.ge @!p0 [sflag:s28], $0xC800  }
0x91: {  	[sflag:s28] =	ssyncset.done @!p0 $0x0  }
0x92: {  	s29 =	sadd.s32 s29, s1;
	[sflag:s28] =	ssyncadd.s32 @!p0 $0xFFFF3800  }
0x93: {  	[hbm4b:s29+s21] =	stream.linear.scatter @!p0 [tilespmem:s24], [sflag:$0x2], $0x6400, $0x38;
	[tilespmem:$0x13BA0] =	vst v63  }
0x94: {  	s0 =	smul.u32 $0x3200, s30;
	_ =	swait.ge @!p0 [sflag:s19], $0x6400  }
0x95: {  	[sflag:s19] =	ssyncset.done @!p0 $0x0  }
0x96: {  	s1 =	smul.u32 $0x1900, s30;
	s30 =	sadd.s32 s11, s0;
	[sflag:s19] =	ssyncadd.s32 @!p0 $0xFFFF9C00  }
0x97: {  	[hbm4b:s30+s21] =	stream.linear.scatter @!p0 [tilespmem:s26], [sflag:$0x2], $0xC800, $0x38;
	[tilespmem:$0x13BA0] =	vst v63  }
0x98: {  	s11 =	sadd.s32 $0xC80, s1;
	_ =	swait.ge @!p0 [sflag:s19], $0xC800  }
0x99: {  	s1 =	sshrl.u32 s11, $0x3;
	[sflag:s19] =	ssyncset.done @!p0 $0x0  }
0x9a: {  	s31 =	sadd.s32 s31, s1;
	[sflag:s19] =	ssyncadd.s32 @!p0 $0xFFFF3800  }
0x9b: {  	[tilespmem:s23], [sflag:$0x2] =	stream.linear.gather @!p0 [hbm4b:s31+s21], $0xC80, $0x38;
	[tilespmem:$0x13BA0] =	vst v63  }
0x9c: {  	_ =	swait.ge @!p0 [sflag:s19], $0xC80  }
0x9d: {  	[sflag:s19] =	ssyncset.done @!p0 $0x0;
	s1 =	rddreg [dreg:$0xe]  }
0x9e: {  	s1 =	ssub.s32 $0x2, s1;
	[sflag:s19] =	ssyncadd.s32 @!p0 $0xFFFFF380  }
0x9f: {  	[tilespmem:s26], [sflag:$0x1] =	stream.indirect.gather @!p0 [hbm4b:s6+s25], $0x10, s23, s25, $0xb8;
	[tilespmem:$0x13BA0] =	vst v63  }
0xa0: {  	s0 =	sshrl.u32 s1, $0x1  }
0xa1: {  	s0 =	ssub.s32 s1, s0  }
0xa2: {  	s0 =	smax.u32 s0, $0x1  }
0xa3: {  	s0 =	sadd.s32 $0xFFFFFFFF, s0  }
0xa4: {  	p1 =	sne.s32 s0, $0x0  }
.Ltmp0:
0xa5: {  	_ =	swait.ge @!p0 [sflag:s28], $0xC800;
	(pc) =	sbr.rel @!p1 .LBB2_2-.Ltmp0, $4  }
0xa6: {  	s1 =	sshll.u32 s11, $0x1;
	[sflag:s28] =	ssyncset.done @!p0 $0x0;
	s11 =	rddreg [dreg:$0xf]  }
0xa7: {  	s1 =	sadd.s32 s11, s1;
	[sflag:s28] =	ssyncadd.s32 @!p0 $0xFFFF3800  }
0xa8: {  	[hbm4b:s1+s21] =	stream.linear.scatter @!p0 [tilespmem:s26], [sflag:$0x2], $0xC800, $0x38;
	[tilespmem:$0x13BA0] =	vst v63  }
0xa9: {  	_ =	swait.ge @!p0 [sflag:s19], $0xC800  }
.LBB2_1:
0xaa: {  	[sflag:s19] =	ssyncset.done @!p0 $0x0  }
0xab: {  	s11 =	rddreg [dreg:$0x3];
	[sflag:s19] =	ssyncadd.s32 @!p0 $0xFFFF3800  }
0xac: {  	[tilespmem:s2], [sflag:$0x2] =	stream.linear.gather [hbm4b:s11+s2], $0x320, $0x38;
	[tilespmem:$0x13BA0] =	vst v63  }
0xad: {  	_ =	swait.ge [sflag:s3], $0x320  }
0xae: {  	[sflag:s3] =	ssyncset.done $0x0  }
0xaf: {  	s11 =	rddreg [dreg:$0x4];
	[sflag:s3] =	ssyncadd.s32 $0xFFFFFCE0  }
0xb0: {  	[tilespmem:s4], [sflag:$0x2] =	stream.linear.gather [hbm4b:s11+s2], $0xC80, $0x38;
	[tilespmem:$0x13BA0] =	vst v63  }
0xb1: {  	_ =	swait.ge [sflag:s3], $0xC80  }
0xb2: {  	[sflag:s3] =	ssyncset.done $0x0  }
0xb3: {  	[sflag:s3] =	ssyncadd.s32 $0xFFFFF380  }
0xb4: {  	[tilespmem:s7], [sflag:$0x1] =	stream.indirect.gather [hbm4b:s5+s4], $0x20, s2, s4, $0xb8;
	[tilespmem:$0x13BA0] =	vst v63  }
0xb5: {  	_ = 	snop  }
0xb6: {  	[tilespmem:s9], [sflag:$0x1] =	stream.indirect.gather [hbm4b:s6+s8], $0x10, s4, s8, $0xb8;
	[tilespmem:$0x13BA0] =	vst v63  }
0xb7: {  	_ =	swait.ge [sflag:s10], $0x6400  }
0xb8: {  	[sflag:s10] =	ssyncset.done $0x0  }
0xb9: {  	[sflag:s10] =	ssyncadd.s32 $0xFFFF9C00  }
0xba: {  	_ =	swait.ge [sflag:s10], $0xC800  }
0xbb: {  	[sflag:s10] =	ssyncset.done $0x0  }
0xbc: {  	s11 =	rddreg [dreg:$0x5];
	[sflag:s10] =	ssyncadd.s32 $0xFFFF3800  }
0xbd: {  	[hbm4b:s11+s2] =	stream.linear.scatter [tilespmem:s7], [sflag:$0x2], $0x6400, $0x38;
	[tilespmem:$0x13BA0] =	vst v63  }
0xbe: {  	_ =	swait.ge [sflag:s3], $0x6400  }
0xbf: {  	[sflag:s3] =	ssyncset.done $0x0  }
0xc0: {  	s11 =	rddreg [dreg:$0x6];
	[sflag:s3] =	ssyncadd.s32 $0xFFFF9C00  }
0xc1: {  	[hbm4b:s11+s2] =	stream.linear.scatter [tilespmem:s9], [sflag:$0x2], $0xC800, $0x38;
	[tilespmem:$0x13BA0] =	vst v63  }
0xc2: {  	_ =	swait.ge [sflag:s3], $0xC800  }
0xc3: {  	[sflag:s3] =	ssyncset.done $0x0  }
0xc4: {  	s11 =	rddreg [dreg:$0x7];
	[sflag:s3] =	ssyncadd.s32 $0xFFFF3800  }
0xc5: {  	[tilespmem:s4], [sflag:$0x2] =	stream.linear.gather [hbm4b:s11+s2], $0xC80, $0x38;
	[tilespmem:$0x13BA0] =	vst v63  }
0xc6: {  	_ =	swait.ge [sflag:s3], $0xC80  }
0xc7: {  	[sflag:s3] =	ssyncset.done $0x0  }
0xc8: {  	[sflag:s3] =	ssyncadd.s32 $0xFFFFF380  }
0xc9: {  	[tilespmem:s9], [sflag:$0x1] =	stream.indirect.gather [hbm4b:s6+s8], $0x10, s4, s8, $0xb8;
	[tilespmem:$0x13BA0] =	vst v63  }
0xca: {  	_ =	swait.ge [sflag:s10], $0xC800  }
0xcb: {  	[sflag:s10] =	ssyncset.done $0x0  }
0xcc: {  	s11 =	rddreg [dreg:$0x8];
	[sflag:s10] =	ssyncadd.s32 $0xFFFF3800  }
0xcd: {  	[hbm4b:s11+s2] =	stream.linear.scatter [tilespmem:s9], [sflag:$0x2], $0xC800, $0x38;
	[tilespmem:$0x13BA0] =	vst v63  }
0xce: {  	_ =	swait.ge [sflag:s3], $0xC800  }
0xcf: {  	[sflag:s3] =	ssyncset.done $0x0  }
0xd0: {  	s11 =	rddreg [dreg:$0x9];
	[sflag:s3] =	ssyncadd.s32 $0xFFFF3800  }
0xd1: {  	[tilespmem:s2], [sflag:$0x2] =	stream.linear.gather [hbm4b:s11+s2], $0x320, $0x38;
	[tilespmem:$0x13BA0] =	vst v63  }
0xd2: {  	_ =	swait.ge [sflag:s3], $0x320  }
0xd3: {  	[sflag:s3] =	ssyncset.done $0x0  }
0xd4: {  	s11 =	rddreg [dreg:$0xa];
	[sflag:s3] =	ssyncadd.s32 $0xFFFFFCE0  }
0xd5: {  	[tilespmem:s4], [sflag:$0x2] =	stream.linear.gather [hbm4b:s11+s2], $0xC80, $0x38;
	[tilespmem:$0x13BA0] =	vst v63  }
0xd6: {  	_ =	swait.ge [sflag:s3], $0xC80  }
0xd7: {  	[sflag:s3] =	ssyncset.done $0x0  }
0xd8: {  	[sflag:s3] =	ssyncadd.s32 $0xFFFFF380  }
0xd9: {  	[tilespmem:s7], [sflag:$0x1] =	stream.indirect.gather [hbm4b:s5+s4], $0x20, s2, s4, $0xb8;
	[tilespmem:$0x13BA0] =	vst v63  }
0xda: {  	_ = 	snop  }
0xdb: {  	[tilespmem:s9], [sflag:$0x1] =	stream.indirect.gather [hbm4b:s6+s8], $0x10, s4, s8, $0xb8;
	[tilespmem:$0x13BA0] =	vst v63  }
0xdc: {  	_ =	swait.ge [sflag:s10], $0x6400  }
0xdd: {  	[sflag:s10] =	ssyncset.done $0x0  }
0xde: {  	[sflag:s10] =	ssyncadd.s32 $0xFFFF9C00  }
0xdf: {  	_ =	swait.ge [sflag:s10], $0xC800  }
0xe0: {  	[sflag:s10] =	ssyncset.done $0x0  }
0xe1: {  	s11 =	rddreg [dreg:$0xb];
	[sflag:s10] =	ssyncadd.s32 $0xFFFF3800  }
0xe2: {  	[hbm4b:s11+s2] =	stream.linear.scatter [tilespmem:s7], [sflag:$0x2], $0x6400, $0x38;
	[tilespmem:$0x13BA0] =	vst v63  }
0xe3: {  	_ =	swait.ge [sflag:s3], $0x6400  }
0xe4: {  	[sflag:s3] =	ssyncset.done $0x0  }
0xe5: {  	s11 =	rddreg [dreg:$0xc];
	[sflag:s3] =	ssyncadd.s32 $0xFFFF9C00  }
0xe6: {  	[hbm4b:s11+s2] =	stream.linear.scatter [tilespmem:s9], [sflag:$0x2], $0xC800, $0x38;
	[tilespmem:$0x13BA0] =	vst v63  }
0xe7: {  	_ =	swait.ge [sflag:s3], $0xC800  }
0xe8: {  	[sflag:s3] =	ssyncset.done $0x0  }
0xe9: {  	s11 =	rddreg [dreg:$0xd];
	[sflag:s3] =	ssyncadd.s32 $0xFFFF3800  }
0xea: {  	[tilespmem:s4], [sflag:$0x2] =	stream.linear.gather [hbm4b:s11+s2], $0xC80, $0x38;
	[tilespmem:$0x13BA0] =	vst v63  }
0xeb: {  	_ =	swait.ge [sflag:s3], $0xC80  }
0xec: {  	[sflag:s3] =	ssyncset.done $0x0  }
0xed: {  	[sflag:s3] =	ssyncadd.s32 $0xFFFFF380  }
0xee: {  	[tilespmem:s9], [sflag:$0x1] =	stream.indirect.gather [hbm4b:s6+s8], $0x10, s4, s8, $0xb8;
	[tilespmem:$0x13BA0] =	vst v63  }
0xef: {  	_ =	swait.ge [sflag:s10], $0xC800  }
0xf0: {  	[sflag:s10] =	ssyncset.done $0x0  }
0xf1: {  	[sflag:s10] =	ssyncadd.s32 $0xFFFF3800  }
0xf2: {  	[hbm4b:s12+s2] =	stream.linear.scatter [tilespmem:s9], [sflag:$0x2], $0xC800, $0x38;
	[tilespmem:$0x13BA0] =	vst v63  }
0xf3: {  	_ =	swait.ge [sflag:s3], $0xC800  }
0xf4: {  	[sflag:s3] =	ssyncset.done $0x0  }
0xf5: {  	[sflag:s3] =	ssyncadd.s32 $0xFFFF3800  }
0xf6: {  	[tilespmem:s2], [sflag:$0x2] =	stream.linear.gather [hbm4b:s13+s2], $0x320, $0x38;
	[tilespmem:$0x13BA0] =	vst v63  }
0xf7: {  	_ =	swait.ge [sflag:s3], $0x320  }
0xf8: {  	[sflag:s3] =	ssyncset.done $0x0  }
0xf9: {  	[sflag:s3] =	ssyncadd.s32 $0xFFFFFCE0  }
0xfa: {  	[tilespmem:s4], [sflag:$0x2] =	stream.linear.gather [hbm4b:s14+s2], $0xC80, $0x38;
	[tilespmem:$0x13BA0] =	vst v63  }
0xfb: {  	_ =	swait.ge [sflag:s3], $0xC80  }
0xfc: {  	[sflag:s3] =	ssyncset.done $0x0  }
0xfd: {  	[sflag:s3] =	ssyncadd.s32 $0xFFFFF380  }
0xfe: {  	[tilespmem:s7], [sflag:$0x1] =	stream.indirect.gather [hbm4b:s5+s4], $0x20, s2, s4, $0xb8;
	[tilespmem:$0x13BA0] =	vst v63  }
0xff: {  	_ = 	snop  }
0x100: {  	[tilespmem:s9], [sflag:$0x1] =	stream.indirect.gather [hbm4b:s6+s8], $0x10, s4, s8, $0xb8;
	[tilespmem:$0x13BA0] =	vst v63  }
0x101: {  	_ =	swait.ge [sflag:s10], $0x6400  }
0x102: {  	[sflag:s10] =	ssyncset.done $0x0  }
0x103: {  	[sflag:s10] =	ssyncadd.s32 $0xFFFF9C00  }
0x104: {  	_ =	swait.ge [sflag:s10], $0xC800  }
0x105: {  	[sflag:s10] =	ssyncset.done $0x0  }
0x106: {  	[sflag:s10] =	ssyncadd.s32 $0xFFFF3800  }
0x107: {  	[hbm4b:s15+s2] =	stream.linear.scatter [tilespmem:s7], [sflag:$0x2], $0x6400, $0x38;
	[tilespmem:$0x13BA0] =	vst v63  }
0x108: {  	_ =	swait.ge [sflag:s3], $0x6400  }
0x109: {  	[sflag:s3] =	ssyncset.done $0x0  }
0x10a: {  	[sflag:s3] =	ssyncadd.s32 $0xFFFF9C00  }
0x10b: {  	[hbm4b:s16+s2] =	stream.linear.scatter [tilespmem:s9], [sflag:$0x2], $0xC800, $0x38;
	[tilespmem:$0x13BA0] =	vst v63  }
0x10c: {  	_ =	swait.ge [sflag:s3], $0xC800  }
0x10d: {  	[sflag:s3] =	ssyncset.done $0x0  }
0x10e: {  	[sflag:s3] =	ssyncadd.s32 $0xFFFF3800  }
0x10f: {  	[tilespmem:s4], [sflag:$0x2] =	stream.linear.gather [hbm4b:s17+s2], $0xC80, $0x38;
	[tilespmem:$0x13BA0] =	vst v63  }
0x110: {  	_ =	swait.ge [sflag:s3], $0xC80  }
0x111: {  	[sflag:s3] =	ssyncset.done $0x0  }
0x112: {  	[sflag:s3] =	ssyncadd.s32 $0xFFFFF380  }
0x113: {  	[tilespmem:s9], [sflag:$0x1] =	stream.indirect.gather [hbm4b:s6+s8], $0x10, s4, s8, $0xb8;
	[tilespmem:$0x13BA0] =	vst v63  }
0x114: {  	_ =	swait.ge [sflag:s10], $0xC800  }
0x115: {  	[sflag:s10] =	ssyncset.done $0x0  }
0x116: {  	[sflag:s10] =	ssyncadd.s32 $0xFFFF3800  }
0x117: {  	[hbm4b:s18+s2] =	stream.linear.scatter [tilespmem:s9], [sflag:$0x2], $0xC800, $0x38;
	[tilespmem:$0x13BA0] =	vst v63  }
0x118: {  	_ =	swait.ge [sflag:s3], $0xC800  }
0x119: {  	[sflag:s3] =	ssyncset.done $0x0  }
0x11a: {  	[sflag:s3] =	ssyncadd.s32 $0xFFFF3800  }
0x11b: {  	[tilespmem:s21], [sflag:$0x2] =	stream.linear.gather @!p0 [hbm4b:s20+s21], $0x320, $0x38;
	[tilespmem:$0x13BA0] =	vst v63  }
0x11c: {  	_ =	swait.ge @!p0 [sflag:s19], $0x320  }
0x11d: {  	[sflag:s19] =	ssyncset.done @!p0 $0x0  }
0x11e: {  	[sflag:s19] =	ssyncadd.s32 @!p0 $0xFFFFFCE0  }
0x11f: {  	[tilespmem:s23], [sflag:$0x2] =	stream.linear.gather @!p0 [hbm4b:s22+s21], $0xC80, $0x38;
	[tilespmem:$0x13BA0] =	vst v63  }
0x120: {  	_ =	swait.ge @!p0 [sflag:s19], $0xC80  }
0x121: {  	[sflag:s19] =	ssyncset.done @!p0 $0x0  }
0x122: {  	[sflag:s19] =	ssyncadd.s32 @!p0 $0xFFFFF380  }
0x123: {  	[tilespmem:s24], [sflag:$0x1] =	stream.indirect.gather @!p0 [hbm4b:s5+s23], $0x20, s21, s23, $0xb8;
	[tilespmem:$0x13BA0] =	vst v63  }
0x124: {  	_ = 	snop  }
0x125: {  	[tilespmem:s26], [sflag:$0x1] =	stream.indirect.gather @!p0 [hbm4b:s6+s25], $0x10, s23, s25, $0xb8;
	[tilespmem:$0x13BA0] =	vst v63  }
0x126: {  	_ =	swait.ge @!p0 [sflag:s28], $0x6400  }
0x127: {  	[sflag:s28] =	ssyncset.done @!p0 $0x0  }
0x128: {  	[sflag:s28] =	ssyncadd.s32 @!p0 $0xFFFF9C00  }
0x129: {  	_ =	swait.ge @!p0 [sflag:s28], $0xC800  }
0x12a: {  	[sflag:s28] =	ssyncset.done @!p0 $0x0  }
0x12b: {  	[sflag:s28] =	ssyncadd.s32 @!p0 $0xFFFF3800  }
0x12c: {  	[hbm4b:s29+s21] =	stream.linear.scatter @!p0 [tilespmem:s24], [sflag:$0x2], $0x6400, $0x38;
	[tilespmem:$0x13BA0] =	vst v63  }
0x12d: {  	_ =	swait.ge @!p0 [sflag:s19], $0x6400  }
0x12e: {  	[sflag:s19] =	ssyncset.done @!p0 $0x0  }
0x12f: {  	[sflag:s19] =	ssyncadd.s32 @!p0 $0xFFFF9C00  }
0x130: {  	[hbm4b:s30+s21] =	stream.linear.scatter @!p0 [tilespmem:s26], [sflag:$0x2], $0xC800, $0x38;
	[tilespmem:$0x13BA0] =	vst v63  }
0x131: {  	_ =	swait.ge @!p0 [sflag:s19], $0xC800  }
0x132: {  	[sflag:s19] =	ssyncset.done @!p0 $0x0  }
0x133: {  	[sflag:s19] =	ssyncadd.s32 @!p0 $0xFFFF3800  }
0x134: {  	[tilespmem:s23], [sflag:$0x2] =	stream.linear.gather @!p0 [hbm4b:s31+s21], $0xC80, $0x38;
	[tilespmem:$0x13BA0] =	vst v63  }
0x135: {  	_ =	swait.ge @!p0 [sflag:s19], $0xC80  }
0x136: {  	s0 =	sadd.s32 $0xFFFFFFFF, s0;
	[sflag:s19] =	ssyncset.done @!p0 $0x0  }
0x137: {  	p1 =	sne.s32 s0, $0x0;
	[sflag:s19] =	ssyncadd.s32 @!p0 $0xFFFFF380  }
0x138: {  	[tilespmem:s26], [sflag:$0x1] =	stream.indirect.gather @!p0 [hbm4b:s6+s25], $0x10, s23, s25, $0xb8;
	[tilespmem:$0x13BA0] =	vst v63  }
.Ltmp1:
0x139: {  	_ =	swait.ge @!p0 [sflag:s28], $0xC800;
	(pc) =	sbr.rel @p1 .LBB2_1-.Ltmp1, $4  }
0x13a: {  	[sflag:s28] =	ssyncset.done @!p0 $0x0  }
0x13b: {  	[sflag:s28] =	ssyncadd.s32 @!p0 $0xFFFF3800  }
0x13c: {  	[hbm4b:s1+s21] =	stream.linear.scatter @!p0 [tilespmem:s26], [sflag:$0x2], $0xC800, $0x38;
	[tilespmem:$0x13BA0] =	vst v63  }
0x13d: {  	_ =	swait.ge @!p0 [sflag:s19], $0xC800  }
.LBB2_2:
0x13e: {  	[sflag:s19] =	ssyncset.done @!p0 $0x0  }
0x13f: {  	[sflag:s19] =	ssyncadd.s32 @!p0 $0xFFFF3800  }
0x140: {  	_ =	sfence.sel $0x180000  }
0x141: {  	[bflag:$0x0] =	sbarrier.arrive $0xFFFF  }
0x142: {  	_ =	strace $0x90000047  }
0x143: {  	s0 =	stileid.u32;
	[bflag:$0x2] =	sbarrier.arrive $0xFFFF  }
0x144: {  	p0 =	sne.s32 s0, $0x0;
	s0 =	rddreg [dreg:$0x2]  }
0x145: {  	s0 =	sadd.s32 @!p0 $0x100000, s0  }
0x146: {  	[sflag:s0] =	ssyncadd.tile.s32 @!p0 $0x1;
	_ =	shalt  }
.Lfunc_end2:
_tile_overlayer_lowered:
.L_overlay_start_2:
0x147: {  	(tag) =	ssettag $0x2  }
0x148: {  	s0 =	rddreg [dreg:$0x0];
	s2 =	stileid.u32  }
0x149: {  	s1 =	rddreg [dreg:$0x1];
	p0 =	sne.s32 s2, $0x0  }
0x14a: {  	s3 =	rddreg [dreg:$0x2];
	[bflag:$0x3] =	sbarrier.arrive $0xFFFF;
	s2 =	simm.s32 @!p0 $0x1C02  }
0x14b: {  	[timem:s3], [sflag:s2] =	dma.local @!p0 [hbm:s0], s1  }
0x14c: {  	s0 =	simm.s32 @!p0 $0x2  }
0x14d: {  	_ =	swait.ge @!p0 [sflag:s0], s1  }
0x14e: {  	s1 =	ssub.s32 @!p0 $0x0, s1;
	[sflag:s0] =	ssyncset.done @!p0 $0x0  }
0x14f: {  	[sflag:s0] =	ssyncadd.s32 @!p0 s1  }
0x150: {  	[bflag:$0x3] =	sbarrier.arrive $0xFFFF  }
0x151: {  	_ =	shalt  }

</sc_bundles>
